<compile_context>
chip_gen: v7x
topology: tpu7x:2x2x1
jax: 0.10.2.dev20260603
libtpu: 0.0.44.dev20260713+nightly
codegen_flags: <defaults>
</compile_context>

<pallas_src>
import functools

import jax
import jax.numpy as jnp
from jax import lax
from jax.experimental import pallas as pl
from jax.experimental.pallas import tpu as pltpu
from jax.experimental.pallas import tpu_sc as plsc


def _tc_stage1(x_ref, gw_ref, gb_ref, eb_ref, w1_ref, b1_ref, w2b_ref,
               b2c_ref, st_ref, pt_ref, lt_ref):
    x = x_ref[...]
    gate_t = lax.dot_general(gw_ref[...], x, (((1,), (1,)), ((), ())),
                             preferred_element_type=jnp.float32)
    gate_t = gate_t + gb_ref[...]
    pt_ref[...] = jax.nn.sigmoid(gate_t)
    lt_ref[...] = gate_t + eb_ref[...]

    h = jnp.dot(x.astype(jnp.bfloat16), w1_ref[...],
                preferred_element_type=jnp.float32)
    h = h * (lax.erf(h * jnp.float32(0.7071067811865476))
             * jnp.float32(0.5) + jnp.float32(0.5))
    s = jnp.dot(h.astype(jnp.bfloat16), w2b_ref[...],
                preferred_element_type=jnp.float32)
    s = s + b2c_ref[...]
    st_ref[...] = jnp.transpose(s, (1, 0))


def _sc_combine(st_hbm, pt_hbm, lt_hbm, out_hbm, s_v, p_v, l_v, o_v, *,
                E, span, nw):
    wid = lax.axis_index("s") * 2 + lax.axis_index("c")
    base = wid * span
    pltpu.sync_copy(st_hbm.at[:, pl.ds(base, span)], s_v)
    pltpu.sync_copy(pt_hbm.at[:, pl.ds(base, span)], p_v)
    pltpu.sync_copy(lt_hbm.at[:, pl.ds(base, span)], l_v)

    big = jnp.float32(1e30)

    def body(g, carry):
        off = g * 16
        sl = pl.ds(off, 16)
        lrow = [l_v[j, sl] for j in range(E)]
        m0 = lrow[0]
        for j in range(1, E):
            m0 = jnp.maximum(m0, lrow[j])
        i0 = jnp.full((16,), 99, jnp.int32)
        for j in range(E - 1, -1, -1):
            i0 = jnp.where(lrow[j] == m0, jnp.int32(j), i0)
        mrow = [jnp.where(i0 == j, lrow[j] - big, lrow[j]) for j in range(E)]
        m1 = mrow[0]
        for j in range(1, E):
            m1 = jnp.maximum(m1, mrow[j])
        i1 = jnp.full((16,), 99, jnp.int32)
        for j in range(E - 1, -1, -1):
            i1 = jnp.where(mrow[j] == m1, jnp.int32(j), i1)
        p0 = jnp.zeros((16,), jnp.float32)
        p1 = jnp.zeros((16,), jnp.float32)
        g0 = jnp.zeros((16,), jnp.float32)
        g1 = jnp.zeros((16,), jnp.float32)
        for j in range(E):
            prow = p_v[j, sl]
            sel0 = i0 == j
            sel1 = i1 == j
            p0 = jnp.where(sel0, prow, p0)
            p1 = jnp.where(sel1, prow, p1)
            g0 = jnp.where(sel0, s_v[j, sl], g0)
            g1 = jnp.where(sel1, s_v[j + E, sl], g1)
        o_v[sl] = (g0 * p0 + g1 * p1) / (p0 + p1)
        return carry

    lax.fori_loop(0, span // 16, body, 0)
    pltpu.sync_copy(o_v, out_hbm.at[pl.ds(base, span)])


def _tc_bcast(f_ref, out_ref):
    out_ref[...] = jnp.broadcast_to(f_ref[...], out_ref.shape)


@jax.jit
def kernel(x, gate_w, gate_b, w1, b1, w2, b2, expert_biases):
    b_, m_, h_, w_, c_ = x.shape
    N = b_ * m_ * h_ * w_
    E, F, C = w1.shape
    O = w2.shape[1]
    k = m_

    xf = x.reshape(N, C)
    w1_t = jnp.transpose(w1, (2, 0, 1)).reshape(C, E * F).astype(jnp.bfloat16)
    b1_f = b1.reshape(1, E * F)
    w2k = w2[:, :k, :]
    eye = jnp.eye(E, dtype=w2.dtype)
    w2blk = jnp.einsum('etf,eg->eftg', w2k, eye).reshape(E * F, k * E)
    w2blk = w2blk.astype(jnp.bfloat16)
    b2c = b2[:, :k].T.reshape(1, k * E)

    TN = 1024
    grid = (N // TN,)
    st, pt, lt = pl.pallas_call(
        _tc_stage1,
        grid=grid,
        in_specs=[
            pl.BlockSpec((TN, C), lambda i: (i, 0)),
            pl.BlockSpec((E, C), lambda i: (0, 0)),
            pl.BlockSpec((E, 1), lambda i: (0, 0)),
            pl.BlockSpec((E, 1), lambda i: (0, 0)),
            pl.BlockSpec((C, E * F), lambda i: (0, 0)),
            pl.BlockSpec((1, E * F), lambda i: (0, 0)),
            pl.BlockSpec((E * F, k * E), lambda i: (0, 0)),
            pl.BlockSpec((1, k * E), lambda i: (0, 0)),
        ],
        out_specs=[
            pl.BlockSpec((k * E, TN), lambda i: (0, i)),
            pl.BlockSpec((E, TN), lambda i: (0, i)),
            pl.BlockSpec((E, TN), lambda i: (0, i)),
        ],
        out_shape=[
            jax.ShapeDtypeStruct((k * E, N), jnp.float32),
            jax.ShapeDtypeStruct((E, N), jnp.float32),
            jax.ShapeDtypeStruct((E, N), jnp.float32),
        ],
    )(xf, gate_w, gate_b.reshape(E, 1), expert_biases.reshape(E, 1),
      w1_t, b1_f, w2blk, b2c)

    nw = 32
    span = N // nw
    mesh = plsc.VectorSubcoreMesh(core_axis_name="c", subcore_axis_name="s")
    sc_fn = functools.partial(
        pl.kernel,
        mesh=mesh,
        out_type=jax.ShapeDtypeStruct((N,), jnp.float32),
        scratch_types=[
            pltpu.VMEM((k * E, span), jnp.float32),
            pltpu.VMEM((E, span), jnp.float32),
            pltpu.VMEM((E, span), jnp.float32),
            pltpu.VMEM((span,), jnp.float32),
        ],
    )(functools.partial(_sc_combine, E=E, span=span, nw=nw))
    final = sc_fn(st, pt, lt)

    out = pl.pallas_call(
        _tc_bcast,
        grid=grid,
        in_specs=[pl.BlockSpec((TN, 1), lambda i: (i, 0))],
        out_specs=pl.BlockSpec((TN, O), lambda i: (i, 0)),
        out_shape=jax.ShapeDtypeStruct((N, O), jnp.float32),
    )(final.reshape(N, 1))
    return out.reshape(b_, m_, h_, w_, O)

# --- scband reference (transcript-rebuilt; emitter-appended) ---
"""Pipeline reference for scband-mo-elayer-59846074302684 (READ-ONLY COPY).

The authoritative reference and input builder live on the scoring server;
editing this copy changes nothing except your own understanding.
"""

import jax, jax.numpy as jnp
import numpy as np

B, M, H, W, C = 2, 2, 64, 64, 128
E = 8
O = 128
F = 2 * C

def setup_inputs(seed: int = 0) -> dict:
    key = jax.random.key(seed)
    ks = jax.random.split(key, 8)
    x = jax.random.normal(ks[0], (B, M, H, W, C), dtype=jnp.float32)
    gate_w = jax.random.normal(ks[1], (E, C), dtype=jnp.float32) * (1.0 / np.sqrt(C))
    gate_b = jnp.zeros((E,), jnp.float32)
    w1 = jax.random.normal(ks[2], (E, F, C), dtype=jnp.float32) * (1.0 / np.sqrt(C))
    b1 = jnp.zeros((E, F), jnp.float32)
    w2 = jax.random.normal(ks[3], (E, O, F), dtype=jnp.float32) * (1.0 / np.sqrt(F))
    b2 = jnp.zeros((E, O), jnp.float32)
    expert_biases = jnp.zeros((E,), jnp.float32)
    return {"x": x, "gate_w": gate_w, "gate_b": gate_b, "w1": w1, "b1": b1, "w2": w2, "b2": b2, "expert_biases": expert_biases}

def reference(x, gate_w, gate_b, w1, b1, w2, b2, expert_biases):
    b_, m_, h_, w_, c_ = x.shape
    xf = x.reshape(b_ * m_ * h_ * w_, c_)
    # gate: Linear(C, E)
    gate_output = jnp.einsum('nc,ec->ne', xf, gate_w) + gate_b
    gate_probs = jax.nn.sigmoid(gate_output)
    # use_aux_loss=False -> add expert_biases to logits for routing
    gate_logits = gate_output + expert_biases
    k = x.shape[1]  # top-k with k = M (second dim of x), as in torch code
    _, top_idx = jax.lax.top_k(gate_logits, k)  # [N,k]
    top_k_probs = jnp.take_along_axis(gate_probs, top_idx, axis=-1)
    top_k_probs = top_k_probs / jnp.sum(top_k_probs, axis=-1, keepdims=True)
    # all experts applied densely (eval mode: dropout is identity)
    hdn = jnp.einsum('nc,efc->nef', xf, w1) + b1  # [N,E,F]
    hdn = jax.nn.gelu(hdn, approximate=False)  # torch nn.GELU() exact erf
    eo = jnp.einsum('nef,eof->neo', hdn, w2) + b2  # [N,E,O]
    # faithful reproduction of torch gather semantics:
    # gathered[n,t] = eo[n, top_idx[n,t], t]
    # (feature index equals top-k slot t; result independent of the output
    #  feature axis after the permutes, so final output is broadcast along O)
    eo_t = jnp.swapaxes(eo, -1, -2)          # [N,O,E]
    eo_k = eo_t[:, :k, :]                    # [N,k,E]
    g = jnp.take_along_axis(eo_k, top_idx[..., None], axis=-1)[..., 0]  # [N,k]
    final = jnp.sum(g * top_k_probs, axis=-1).reshape(b_, m_, h_, w_)  # [B,M,H,W]
    out_dim = eo.shape[-1]
    final_output = jnp.broadcast_to(final[..., None], final.shape + (out_dim,))
    return final_output

if __name__ == "__main__":
    import jax
    _d = setup_inputs()
    print(jax.jit(kernel)(*tuple(_d.values())))

</pallas_src>

<mosaic_0001>
#map = affine_map<(d0, d1) -> (0, 0)>
#map1 = affine_map<(d0, d1) -> (0)>
module attributes {stable_mosaic.version = 14 : i64} {
  func.func @_sc_combine(%arg0: i32, %arg1: i32, %arg2: memref<16x16384xf32, #tpu.memory_space<hbm>>, %arg3: memref<8x16384xf32, #tpu.memory_space<hbm>>, %arg4: memref<8x16384xf32, #tpu.memory_space<hbm>>, %arg5: memref<16384xf32, #tpu.memory_space<hbm>>, %arg6: memref<16x512xf32, #tpu.memory_space<vmem>>, %arg7: memref<8x512xf32, #tpu.memory_space<vmem>>, %arg8: memref<8x512xf32, #tpu.memory_space<vmem>>, %arg9: memref<512xf32, #tpu.memory_space<vmem>>) attributes {dimension_semantics = [#tpu.dimension_semantics<core_parallel>, #tpu.dimension_semantics<subcore_parallel>], iteration_bounds = array<i64: 2, 16>, scalar_prefetch = 0 : i64, scratch_operands = 4 : i64, tpu.core_type = #tpu.core_type<sc_vector_subcore>, window_params = [{transform_indices = #map}, {transform_indices = #map}, {transform_indices = #map}, {transform_indices = #map1}]} {
    %mul3A = arith.constant 2 : i32
    %mul3A_0 = arith.muli %arg1, %mul3A : i32
    %add3A = arith.addi %mul3A_0, %arg0 : i32
    %mul3A_1 = arith.constant 512 : i32
    %mul3A_2 = arith.muli %add3A, %mul3A_1 : i32
    "tpu.region"() ({
      %run_scoped3A = tpu.sem_alloc : memref<!tpu.dma_semaphore, #tpu.memory_space<semaphore_mem>>
      %dma_start3A = arith.constant 0 : i32
      %dma_start3A_9 = tpu.memref_slice %arg2[%dma_start3A, %mul3A_2] : memref<16x16384xf32, #tpu.memory_space<hbm>> -> memref<16x512xf32, #tpu.memory_space<hbm>>
      %dma_start3A_10 = arith.constant 0 : i32
      %dma_start3A_11 = tpu.memref_slice %arg2[%dma_start3A_10, %mul3A_2] : memref<16x16384xf32, #tpu.memory_space<hbm>> -> memref<16x512xf32, #tpu.memory_space<hbm>>
      tpu.enqueue_dma source(%dma_start3A_11 : memref<16x512xf32, #tpu.memory_space<hbm>>) target(%arg6 : memref<16x512xf32, #tpu.memory_space<vmem>>) target_semaphore(%run_scoped3A : memref<!tpu.dma_semaphore, #tpu.memory_space<semaphore_mem>>)
      %dma_wait3A = arith.constant 0 : i32
      %dma_wait3A_12 = tpu.memref_slice %arg2[%dma_wait3A, %mul3A_2] : memref<16x16384xf32, #tpu.memory_space<hbm>> -> memref<16x512xf32, #tpu.memory_space<hbm>>
      %dma_wait3A_13 = arith.constant 0 : i32
      %dma_wait3A_14 = tpu.memref_slice %arg2[%dma_wait3A_13, %mul3A_2] : memref<16x16384xf32, #tpu.memory_space<hbm>> -> memref<16x512xf32, #tpu.memory_space<hbm>>
      tpu.wait_dma2 semaphore(%run_scoped3A : memref<!tpu.dma_semaphore, #tpu.memory_space<semaphore_mem>>) src(%dma_wait3A_14 : memref<16x512xf32, #tpu.memory_space<hbm>>) dst(%arg6 : memref<16x512xf32, #tpu.memory_space<vmem>>)
      tpu.yield
    }) : () -> ()
    "tpu.region"() ({
      %run_scoped3A = tpu.sem_alloc : memref<!tpu.dma_semaphore, #tpu.memory_space<semaphore_mem>>
      %dma_start3A = arith.constant 0 : i32
      %dma_start3A_9 = tpu.memref_slice %arg3[%dma_start3A, %mul3A_2] : memref<8x16384xf32, #tpu.memory_space<hbm>> -> memref<8x512xf32, #tpu.memory_space<hbm>>
      %dma_start3A_10 = arith.constant 0 : i32
      %dma_start3A_11 = tpu.memref_slice %arg3[%dma_start3A_10, %mul3A_2] : memref<8x16384xf32, #tpu.memory_space<hbm>> -> memref<8x512xf32, #tpu.memory_space<hbm>>
      tpu.enqueue_dma source(%dma_start3A_11 : memref<8x512xf32, #tpu.memory_space<hbm>>) target(%arg7 : memref<8x512xf32, #tpu.memory_space<vmem>>) target_semaphore(%run_scoped3A : memref<!tpu.dma_semaphore, #tpu.memory_space<semaphore_mem>>)
      %dma_wait3A = arith.constant 0 : i32
      %dma_wait3A_12 = tpu.memref_slice %arg3[%dma_wait3A, %mul3A_2] : memref<8x16384xf32, #tpu.memory_space<hbm>> -> memref<8x512xf32, #tpu.memory_space<hbm>>
      %dma_wait3A_13 = arith.constant 0 : i32
      %dma_wait3A_14 = tpu.memref_slice %arg3[%dma_wait3A_13, %mul3A_2] : memref<8x16384xf32, #tpu.memory_space<hbm>> -> memref<8x512xf32, #tpu.memory_space<hbm>>
      tpu.wait_dma2 semaphore(%run_scoped3A : memref<!tpu.dma_semaphore, #tpu.memory_space<semaphore_mem>>) src(%dma_wait3A_14 : memref<8x512xf32, #tpu.memory_space<hbm>>) dst(%arg7 : memref<8x512xf32, #tpu.memory_space<vmem>>)
      tpu.yield
    }) : () -> ()
    "tpu.region"() ({
      %run_scoped3A = tpu.sem_alloc : memref<!tpu.dma_semaphore, #tpu.memory_space<semaphore_mem>>
      %dma_start3A = arith.constant 0 : i32
      %dma_start3A_9 = tpu.memref_slice %arg4[%dma_start3A, %mul3A_2] : memref<8x16384xf32, #tpu.memory_space<hbm>> -> memref<8x512xf32, #tpu.memory_space<hbm>>
      %dma_start3A_10 = arith.constant 0 : i32
      %dma_start3A_11 = tpu.memref_slice %arg4[%dma_start3A_10, %mul3A_2] : memref<8x16384xf32, #tpu.memory_space<hbm>> -> memref<8x512xf32, #tpu.memory_space<hbm>>
      tpu.enqueue_dma source(%dma_start3A_11 : memref<8x512xf32, #tpu.memory_space<hbm>>) target(%arg8 : memref<8x512xf32, #tpu.memory_space<vmem>>) target_semaphore(%run_scoped3A : memref<!tpu.dma_semaphore, #tpu.memory_space<semaphore_mem>>)
      %dma_wait3A = arith.constant 0 : i32
      %dma_wait3A_12 = tpu.memref_slice %arg4[%dma_wait3A, %mul3A_2] : memref<8x16384xf32, #tpu.memory_space<hbm>> -> memref<8x512xf32, #tpu.memory_space<hbm>>
      %dma_wait3A_13 = arith.constant 0 : i32
      %dma_wait3A_14 = tpu.memref_slice %arg4[%dma_wait3A_13, %mul3A_2] : memref<8x16384xf32, #tpu.memory_space<hbm>> -> memref<8x512xf32, #tpu.memory_space<hbm>>
      tpu.wait_dma2 semaphore(%run_scoped3A : memref<!tpu.dma_semaphore, #tpu.memory_space<semaphore_mem>>) src(%dma_wait3A_14 : memref<8x512xf32, #tpu.memory_space<hbm>>) dst(%arg8 : memref<8x512xf32, #tpu.memory_space<vmem>>)
      tpu.yield
    }) : () -> ()
    %scan3A = arith.constant 0 : i32
    %scan3A_3 = arith.constant 1.000000e+30 : f32
    %scan3A_4 = arith.constant 0 : i32
    %scan3A_5 = arith.constant 32 : i32
    %scan3A_6 = arith.addi %scan3A_4, %scan3A_5 : i32
    %scan3A_7 = arith.constant 1 : i32
    scf.for %scan3A_9 = %scan3A_4 to %scan3A_6 step %scan3A_7  : i32 {
      %mul3A_10 = arith.constant 16 : i32
      %mul3A_11 = arith.muli %scan3A_9, %mul3A_10 : i32
      %get3A = arith.constant 0 : i32
      %get3A_12 = arith.index_cast %get3A : i32 to index
      %get3A_13 = arith.index_cast %mul3A_11 : i32 to index
      %get3A_14 = tpu.vector_load %arg8[%get3A_12, %get3A_13] {strides = array<i32>} : memref<8x512xf32, #tpu.memory_space<vmem>>, vector<1x16xf32>,
      %get3A_15 = vector.shape_cast %get3A_14 : vector<1x16xf32> to vector<16xf32>
      %get3A_16 = arith.constant 1 : i32
      %get3A_17 = arith.index_cast %get3A_16 : i32 to index
      %get3A_18 = arith.index_cast %mul3A_11 : i32 to index
      %get3A_19 = tpu.vector_load %arg8[%get3A_17, %get3A_18] {strides = array<i32>} : memref<8x512xf32, #tpu.memory_space<vmem>>, vector<1x16xf32>,
      %get3A_20 = vector.shape_cast %get3A_19 : vector<1x16xf32> to vector<16xf32>
      %get3A_21 = arith.constant 2 : i32
      %get3A_22 = arith.index_cast %get3A_21 : i32 to index
      %get3A_23 = arith.index_cast %mul3A_11 : i32 to index
      %get3A_24 = tpu.vector_load %arg8[%get3A_22, %get3A_23] {strides = array<i32>} : memref<8x512xf32, #tpu.memory_space<vmem>>, vector<1x16xf32>,
      %get3A_25 = vector.shape_cast %get3A_24 : vector<1x16xf32> to vector<16xf32>
      %get3A_26 = arith.constant 3 : i32
      %get3A_27 = arith.index_cast %get3A_26 : i32 to index
      %get3A_28 = arith.index_cast %mul3A_11 : i32 to index
      %get3A_29 = tpu.vector_load %arg8[%get3A_27, %get3A_28] {strides = array<i32>} : memref<8x512xf32, #tpu.memory_space<vmem>>, vector<1x16xf32>,
      %get3A_30 = vector.shape_cast %get3A_29 : vector<1x16xf32> to vector<16xf32>
      %get3A_31 = arith.constant 4 : i32
      %get3A_32 = arith.index_cast %get3A_31 : i32 to index
      %get3A_33 = arith.index_cast %mul3A_11 : i32 to index
      %get3A_34 = tpu.vector_load %arg8[%get3A_32, %get3A_33] {strides = array<i32>} : memref<8x512xf32, #tpu.memory_space<vmem>>, vector<1x16xf32>,
      %get3A_35 = vector.shape_cast %get3A_34 : vector<1x16xf32> to vector<16xf32>
      %get3A_36 = arith.constant 5 : i32
      %get3A_37 = arith.index_cast %get3A_36 : i32 to index
      %get3A_38 = arith.index_cast %mul3A_11 : i32 to index
      %get3A_39 = tpu.vector_load %arg8[%get3A_37, %get3A_38] {strides = array<i32>} : memref<8x512xf32, #tpu.memory_space<vmem>>, vector<1x16xf32>,
      %get3A_40 = vector.shape_cast %get3A_39 : vector<1x16xf32> to vector<16xf32>
      %get3A_41 = arith.constant 6 : i32
      %get3A_42 = arith.index_cast %get3A_41 : i32 to index
      %get3A_43 = arith.index_cast %mul3A_11 : i32 to index
      %get3A_44 = tpu.vector_load %arg8[%get3A_42, %get3A_43] {strides = array<i32>} : memref<8x512xf32, #tpu.memory_space<vmem>>, vector<1x16xf32>,
      %get3A_45 = vector.shape_cast %get3A_44 : vector<1x16xf32> to vector<16xf32>
      %get3A_46 = arith.constant 7 : i32
      %get3A_47 = arith.index_cast %get3A_46 : i32 to index
      %get3A_48 = arith.index_cast %mul3A_11 : i32 to index
      %get3A_49 = tpu.vector_load %arg8[%get3A_47, %get3A_48] {strides = array<i32>} : memref<8x512xf32, #tpu.memory_space<vmem>>, vector<1x16xf32>,
      %get3A_50 = vector.shape_cast %get3A_49 : vector<1x16xf32> to vector<16xf32>
      %max3A = arith.maximumf %get3A_15, %get3A_20 : vector<16xf32>
      %max3A_51 = arith.maximumf %max3A, %get3A_25 : vector<16xf32>
      %max3A_52 = arith.maximumf %max3A_51, %get3A_30 : vector<16xf32>
      %max3A_53 = arith.maximumf %max3A_52, %get3A_35 : vector<16xf32>
      %max3A_54 = arith.maximumf %max3A_53, %get3A_40 : vector<16xf32>
      %max3A_55 = arith.maximumf %max3A_54, %get3A_45 : vector<16xf32>
      %max3A_56 = arith.maximumf %max3A_55, %get3A_50 : vector<16xf32>
      %broadcast_in_dim3A = arith.constant 99 : i32
      %broadcast_in_dim3A_57 = vector.broadcast %broadcast_in_dim3A : i32 to vector<16xi32>
      %eq3A = arith.cmpf oeq, %get3A_50, %max3A_56 : vector<16xf32>
      %jit3A = arith.constant 7 : i32
      %broadcast_in_dim3A_58 = vector.broadcast %jit3A : i32 to vector<16xi32>
      %select_n3A = arith.select %eq3A, %broadcast_in_dim3A_58, %broadcast_in_dim3A_57 : vector<16xi1>, vector<16xi32>
      %eq3A_59 = arith.cmpf oeq, %get3A_45, %max3A_56 : vector<16xf32>
      %jit3A_60 = arith.constant 6 : i32
      %broadcast_in_dim3A_61 = vector.broadcast %jit3A_60 : i32 to vector<16xi32>
      %select_n3A_62 = arith.select %eq3A_59, %broadcast_in_dim3A_61, %select_n3A : vector<16xi1>, vector<16xi32>
      %eq3A_63 = arith.cmpf oeq, %get3A_40, %max3A_56 : vector<16xf32>
      %jit3A_64 = arith.constant 5 : i32
      %broadcast_in_dim3A_65 = vector.broadcast %jit3A_64 : i32 to vector<16xi32>
      %select_n3A_66 = arith.select %eq3A_63, %broadcast_in_dim3A_65, %select_n3A_62 : vector<16xi1>, vector<16xi32>
      %eq3A_67 = arith.cmpf oeq, %get3A_35, %max3A_56 : vector<16xf32>
      %jit3A_68 = arith.constant 4 : i32
      %broadcast_in_dim3A_69 = vector.broadcast %jit3A_68 : i32 to vector<16xi32>
      %select_n3A_70 = arith.select %eq3A_67, %broadcast_in_dim3A_69, %select_n3A_66 : vector<16xi1>, vector<16xi32>
      %eq3A_71 = arith.cmpf oeq, %get3A_30, %max3A_56 : vector<16xf32>
      %jit3A_72 = arith.constant 3 : i32
      %broadcast_in_dim3A_73 = vector.broadcast %jit3A_72 : i32 to vector<16xi32>
      %select_n3A_74 = arith.select %eq3A_71, %broadcast_in_dim3A_73, %select_n3A_70 : vector<16xi1>, vector<16xi32>
      %eq3A_75 = arith.cmpf oeq, %get3A_25, %max3A_56 : vector<16xf32>
      %jit3A_76 = arith.constant 2 : i32
      %broadcast_in_dim3A_77 = vector.broadcast %jit3A_76 : i32 to vector<16xi32>
      %select_n3A_78 = arith.select %eq3A_75, %broadcast_in_dim3A_77, %select_n3A_74 : vector<16xi1>, vector<16xi32>
      %eq3A_79 = arith.cmpf oeq, %get3A_20, %max3A_56 : vector<16xf32>
      %jit3A_80 = arith.constant 1 : i32
      %broadcast_in_dim3A_81 = vector.broadcast %jit3A_80 : i32 to vector<16xi32>
      %select_n3A_82 = arith.select %eq3A_79, %broadcast_in_dim3A_81, %select_n3A_78 : vector<16xi1>, vector<16xi32>
      %eq3A_83 = arith.cmpf oeq, %get3A_15, %max3A_56 : vector<16xf32>
      %jit3A_84 = arith.constant 0 : i32
      %broadcast_in_dim3A_85 = vector.broadcast %jit3A_84 : i32 to vector<16xi32>
      %select_n3A_86 = arith.select %eq3A_83, %broadcast_in_dim3A_85, %select_n3A_82 : vector<16xi1>, vector<16xi32>
      %eq3A_87 = arith.constant 0 : i32
      %eq3A_88 = vector.broadcast %eq3A_87 : i32 to vector<16xi32>
      %eq3A_89 = arith.cmpi eq, %select_n3A_86, %eq3A_88 : vector<16xi32>
      %sub3A = vector.broadcast %scan3A_3 : f32 to vector<16xf32>
      %sub3A_90 = arith.subf %get3A_15, %sub3A : vector<16xf32>
      %select_n3A_91 = arith.select %eq3A_89, %sub3A_90, %get3A_15 : vector<16xi1>, vector<16xf32>
      %eq3A_92 = arith.constant 1 : i32
      %eq3A_93 = vector.broadcast %eq3A_92 : i32 to vector<16xi32>
      %eq3A_94 = arith.cmpi eq, %select_n3A_86, %eq3A_93 : vector<16xi32>
      %sub3A_95 = vector.broadcast %scan3A_3 : f32 to vector<16xf32>
      %sub3A_96 = arith.subf %get3A_20, %sub3A_95 : vector<16xf32>
      %select_n3A_97 = arith.select %eq3A_94, %sub3A_96, %get3A_20 : vector<16xi1>, vector<16xf32>
      %eq3A_98 = arith.constant 2 : i32
      %eq3A_99 = vector.broadcast %eq3A_98 : i32 to vector<16xi32>
      %eq3A_100 = arith.cmpi eq, %select_n3A_86, %eq3A_99 : vector<16xi32>
      %sub3A_101 = vector.broadcast %scan3A_3 : f32 to vector<16xf32>
      %sub3A_102 = arith.subf %get3A_25, %sub3A_101 : vector<16xf32>
      %select_n3A_103 = arith.select %eq3A_100, %sub3A_102, %get3A_25 : vector<16xi1>, vector<16xf32>
      %eq3A_104 = arith.constant 3 : i32
      %eq3A_105 = vector.broadcast %eq3A_104 : i32 to vector<16xi32>
      %eq3A_106 = arith.cmpi eq, %select_n3A_86, %eq3A_105 : vector<16xi32>
      %sub3A_107 = vector.broadcast %scan3A_3 : f32 to vector<16xf32>
      %sub3A_108 = arith.subf %get3A_30, %sub3A_107 : vector<16xf32>
      %select_n3A_109 = arith.select %eq3A_106, %sub3A_108, %get3A_30 : vector<16xi1>, vector<16xf32>
      %eq3A_110 = arith.constant 4 : i32
      %eq3A_111 = vector.broadcast %eq3A_110 : i32 to vector<16xi32>
      %eq3A_112 = arith.cmpi eq, %select_n3A_86, %eq3A_111 : vector<16xi32>
      %sub3A_113 = vector.broadcast %scan3A_3 : f32 to vector<16xf32>
      %sub3A_114 = arith.subf %get3A_35, %sub3A_113 : vector<16xf32>
      %select_n3A_115 = arith.select %eq3A_112, %sub3A_114, %get3A_35 : vector<16xi1>, vector<16xf32>
      %eq3A_116 = arith.constant 5 : i32
      %eq3A_117 = vector.broadcast %eq3A_116 : i32 to vector<16xi32>
      %eq3A_118 = arith.cmpi eq, %select_n3A_86, %eq3A_117 : vector<16xi32>
      %sub3A_119 = vector.broadcast %scan3A_3 : f32 to vector<16xf32>
      %sub3A_120 = arith.subf %get3A_40, %sub3A_119 : vector<16xf32>
      %select_n3A_121 = arith.select %eq3A_118, %sub3A_120, %get3A_40 : vector<16xi1>, vector<16xf32>
      %eq3A_122 = arith.constant 6 : i32
      %eq3A_123 = vector.broadcast %eq3A_122 : i32 to vector<16xi32>
      %eq3A_124 = arith.cmpi eq, %select_n3A_86, %eq3A_123 : vector<16xi32>
      %sub3A_125 = vector.broadcast %scan3A_3 : f32 to vector<16xf32>
      %sub3A_126 = arith.subf %get3A_45, %sub3A_125 : vector<16xf32>
      %select_n3A_127 = arith.select %eq3A_124, %sub3A_126, %get3A_45 : vector<16xi1>, vector<16xf32>
      %eq3A_128 = arith.constant 7 : i32
      %eq3A_129 = vector.broadcast %eq3A_128 : i32 to vector<16xi32>
      %eq3A_130 = arith.cmpi eq, %select_n3A_86, %eq3A_129 : vector<16xi32>
      %sub3A_131 = vector.broadcast %scan3A_3 : f32 to vector<16xf32>
      %sub3A_132 = arith.subf %get3A_50, %sub3A_131 : vector<16xf32>
      %select_n3A_133 = arith.select %eq3A_130, %sub3A_132, %get3A_50 : vector<16xi1>, vector<16xf32>
      %max3A_134 = arith.maximumf %select_n3A_91, %select_n3A_97 : vector<16xf32>
      %max3A_135 = arith.maximumf %max3A_134, %select_n3A_103 : vector<16xf32>
      %max3A_136 = arith.maximumf %max3A_135, %select_n3A_109 : vector<16xf32>
      %max3A_137 = arith.maximumf %max3A_136, %select_n3A_115 : vector<16xf32>
      %max3A_138 = arith.maximumf %max3A_137, %select_n3A_121 : vector<16xf32>
      %max3A_139 = arith.maximumf %max3A_138, %select_n3A_127 : vector<16xf32>
      %max3A_140 = arith.maximumf %max3A_139, %select_n3A_133 : vector<16xf32>
      %broadcast_in_dim3A_141 = arith.constant 99 : i32
      %broadcast_in_dim3A_142 = vector.broadcast %broadcast_in_dim3A_141 : i32 to vector<16xi32>
      %eq3A_143 = arith.cmpf oeq, %select_n3A_133, %max3A_140 : vector<16xf32>
      %jit3A_144 = arith.constant 7 : i32
      %broadcast_in_dim3A_145 = vector.broadcast %jit3A_144 : i32 to vector<16xi32>
      %select_n3A_146 = arith.select %eq3A_143, %broadcast_in_dim3A_145, %broadcast_in_dim3A_142 : vector<16xi1>, vector<16xi32>
      %eq3A_147 = arith.cmpf oeq, %select_n3A_127, %max3A_140 : vector<16xf32>
      %jit3A_148 = arith.constant 6 : i32
      %broadcast_in_dim3A_149 = vector.broadcast %jit3A_148 : i32 to vector<16xi32>
      %select_n3A_150 = arith.select %eq3A_147, %broadcast_in_dim3A_149, %select_n3A_146 : vector<16xi1>, vector<16xi32>
      %eq3A_151 = arith.cmpf oeq, %select_n3A_121, %max3A_140 : vector<16xf32>
      %jit3A_152 = arith.constant 5 : i32
      %broadcast_in_dim3A_153 = vector.broadcast %jit3A_152 : i32 to vector<16xi32>
      %select_n3A_154 = arith.select %eq3A_151, %broadcast_in_dim3A_153, %select_n3A_150 : vector<16xi1>, vector<16xi32>
      %eq3A_155 = arith.cmpf oeq, %select_n3A_115, %max3A_140 : vector<16xf32>
      %jit3A_156 = arith.constant 4 : i32
      %broadcast_in_dim3A_157 = vector.broadcast %jit3A_156 : i32 to vector<16xi32>
      %select_n3A_158 = arith.select %eq3A_155, %broadcast_in_dim3A_157, %select_n3A_154 : vector<16xi1>, vector<16xi32>
      %eq3A_159 = arith.cmpf oeq, %select_n3A_109, %max3A_140 : vector<16xf32>
      %jit3A_160 = arith.constant 3 : i32
      %broadcast_in_dim3A_161 = vector.broadcast %jit3A_160 : i32 to vector<16xi32>
      %select_n3A_162 = arith.select %eq3A_159, %broadcast_in_dim3A_161, %select_n3A_158 : vector<16xi1>, vector<16xi32>
      %eq3A_163 = arith.cmpf oeq, %select_n3A_103, %max3A_140 : vector<16xf32>
      %jit3A_164 = arith.constant 2 : i32
      %broadcast_in_dim3A_165 = vector.broadcast %jit3A_164 : i32 to vector<16xi32>
      %select_n3A_166 = arith.select %eq3A_163, %broadcast_in_dim3A_165, %select_n3A_162 : vector<16xi1>, vector<16xi32>
      %eq3A_167 = arith.cmpf oeq, %select_n3A_97, %max3A_140 : vector<16xf32>
      %jit3A_168 = arith.constant 1 : i32
      %broadcast_in_dim3A_169 = vector.broadcast %jit3A_168 : i32 to vector<16xi32>
      %select_n3A_170 = arith.select %eq3A_167, %broadcast_in_dim3A_169, %select_n3A_166 : vector<16xi1>, vector<16xi32>
      %eq3A_171 = arith.cmpf oeq, %select_n3A_91, %max3A_140 : vector<16xf32>
      %jit3A_172 = arith.constant 0 : i32
      %broadcast_in_dim3A_173 = vector.broadcast %jit3A_172 : i32 to vector<16xi32>
      %select_n3A_174 = arith.select %eq3A_171, %broadcast_in_dim3A_173, %select_n3A_170 : vector<16xi1>, vector<16xi32>
      %broadcast_in_dim3A_175 = arith.constant 0.000000e+00 : f32
      %broadcast_in_dim3A_176 = vector.broadcast %broadcast_in_dim3A_175 : f32 to vector<16xf32>
      %broadcast_in_dim3A_177 = arith.constant 0.000000e+00 : f32
      %broadcast_in_dim3A_178 = vector.broadcast %broadcast_in_dim3A_177 : f32 to vector<16xf32>
      %broadcast_in_dim3A_179 = arith.constant 0.000000e+00 : f32
      %broadcast_in_dim3A_180 = vector.broadcast %broadcast_in_dim3A_179 : f32 to vector<16xf32>
      %broadcast_in_dim3A_181 = arith.constant 0.000000e+00 : f32
      %broadcast_in_dim3A_182 = vector.broadcast %broadcast_in_dim3A_181 : f32 to vector<16xf32>
      %get3A_183 = arith.constant 0 : i32
      %get3A_184 = arith.index_cast %get3A_183 : i32 to index
      %get3A_185 = arith.index_cast %mul3A_11 : i32 to index
      %get3A_186 = tpu.vector_load %arg7[%get3A_184, %get3A_185] {strides = array<i32>} : memref<8x512xf32, #tpu.memory_space<vmem>>, vector<1x16xf32>,
      %get3A_187 = vector.shape_cast %get3A_186 : vector<1x16xf32> to vector<16xf32>
      %eq3A_188 = arith.constant 0 : i32
      %eq3A_189 = vector.broadcast %eq3A_188 : i32 to vector<16xi32>
      %eq3A_190 = arith.cmpi eq, %select_n3A_86, %eq3A_189 : vector<16xi32>
      %eq3A_191 = arith.constant 0 : i32
      %eq3A_192 = vector.broadcast %eq3A_191 : i32 to vector<16xi32>
      %eq3A_193 = arith.cmpi eq, %select_n3A_174, %eq3A_192 : vector<16xi32>
      %select_n3A_194 = arith.select %eq3A_190, %get3A_187, %broadcast_in_dim3A_176 : vector<16xi1>, vector<16xf32>
      %select_n3A_195 = arith.select %eq3A_193, %get3A_187, %broadcast_in_dim3A_178 : vector<16xi1>, vector<16xf32>
      %get3A_196 = arith.constant 0 : i32
      %get3A_197 = arith.index_cast %get3A_196 : i32 to index
      %get3A_198 = arith.index_cast %mul3A_11 : i32 to index
      %get3A_199 = tpu.vector_load %arg6[%get3A_197, %get3A_198] {strides = array<i32>} : memref<16x512xf32, #tpu.memory_space<vmem>>, vector<1x16xf32>,
      %get3A_200 = vector.shape_cast %get3A_199 : vector<1x16xf32> to vector<16xf32>
      %select_n3A_201 = arith.select %eq3A_190, %get3A_200, %broadcast_in_dim3A_180 : vector<16xi1>, vector<16xf32>
      %get3A_202 = arith.constant 8 : i32
      %get3A_203 = arith.index_cast %get3A_202 : i32 to index
      %get3A_204 = arith.index_cast %mul3A_11 : i32 to index
      %get3A_205 = tpu.vector_load %arg6[%get3A_203, %get3A_204] {strides = array<i32>} : memref<16x512xf32, #tpu.memory_space<vmem>>, vector<1x16xf32>,
      %get3A_206 = vector.shape_cast %get3A_205 : vector<1x16xf32> to vector<16xf32>
      %select_n3A_207 = arith.select %eq3A_193, %get3A_206, %broadcast_in_dim3A_182 : vector<16xi1>, vector<16xf32>
      %get3A_208 = arith.constant 1 : i32
      %get3A_209 = arith.index_cast %get3A_208 : i32 to index
      %get3A_210 = arith.index_cast %mul3A_11 : i32 to index
      %get3A_211 = tpu.vector_load %arg7[%get3A_209, %get3A_210] {strides = array<i32>} : memref<8x512xf32, #tpu.memory_space<vmem>>, vector<1x16xf32>,
      %get3A_212 = vector.shape_cast %get3A_211 : vector<1x16xf32> to vector<16xf32>
      %eq3A_213 = arith.constant 1 : i32
      %eq3A_214 = vector.broadcast %eq3A_213 : i32 to vector<16xi32>
      %eq3A_215 = arith.cmpi eq, %select_n3A_86, %eq3A_214 : vector<16xi32>
      %eq3A_216 = arith.constant 1 : i32
      %eq3A_217 = vector.broadcast %eq3A_216 : i32 to vector<16xi32>
      %eq3A_218 = arith.cmpi eq, %select_n3A_174, %eq3A_217 : vector<16xi32>
      %select_n3A_219 = arith.select %eq3A_215, %get3A_212, %select_n3A_194 : vector<16xi1>, vector<16xf32>
      %select_n3A_220 = arith.select %eq3A_218, %get3A_212, %select_n3A_195 : vector<16xi1>, vector<16xf32>
      %get3A_221 = arith.constant 1 : i32
      %get3A_222 = arith.index_cast %get3A_221 : i32 to index
      %get3A_223 = arith.index_cast %mul3A_11 : i32 to index
      %get3A_224 = tpu.vector_load %arg6[%get3A_222, %get3A_223] {strides = array<i32>} : memref<16x512xf32, #tpu.memory_space<vmem>>, vector<1x16xf32>,
      %get3A_225 = vector.shape_cast %get3A_224 : vector<1x16xf32> to vector<16xf32>
      %select_n3A_226 = arith.select %eq3A_215, %get3A_225, %select_n3A_201 : vector<16xi1>, vector<16xf32>
      %get3A_227 = arith.constant 9 : i32
      %get3A_228 = arith.index_cast %get3A_227 : i32 to index
      %get3A_229 = arith.index_cast %mul3A_11 : i32 to index
      %get3A_230 = tpu.vector_load %arg6[%get3A_228, %get3A_229] {strides = array<i32>} : memref<16x512xf32, #tpu.memory_space<vmem>>, vector<1x16xf32>,
      %get3A_231 = vector.shape_cast %get3A_230 : vector<1x16xf32> to vector<16xf32>
      %select_n3A_232 = arith.select %eq3A_218, %get3A_231, %select_n3A_207 : vector<16xi1>, vector<16xf32>
      %get3A_233 = arith.constant 2 : i32
      %get3A_234 = arith.index_cast %get3A_233 : i32 to index
      %get3A_235 = arith.index_cast %mul3A_11 : i32 to index
      %get3A_236 = tpu.vector_load %arg7[%get3A_234, %get3A_235] {strides = array<i32>} : memref<8x512xf32, #tpu.memory_space<vmem>>, vector<1x16xf32>,
      %get3A_237 = vector.shape_cast %get3A_236 : vector<1x16xf32> to vector<16xf32>
      %eq3A_238 = arith.constant 2 : i32
      %eq3A_239 = vector.broadcast %eq3A_238 : i32 to vector<16xi32>
      %eq3A_240 = arith.cmpi eq, %select_n3A_86, %eq3A_239 : vector<16xi32>
      %eq3A_241 = arith.constant 2 : i32
      %eq3A_242 = vector.broadcast %eq3A_241 : i32 to vector<16xi32>
      %eq3A_243 = arith.cmpi eq, %select_n3A_174, %eq3A_242 : vector<16xi32>
      %select_n3A_244 = arith.select %eq3A_240, %get3A_237, %select_n3A_219 : vector<16xi1>, vector<16xf32>
      %select_n3A_245 = arith.select %eq3A_243, %get3A_237, %select_n3A_220 : vector<16xi1>, vector<16xf32>
      %get3A_246 = arith.constant 2 : i32
      %get3A_247 = arith.index_cast %get3A_246 : i32 to index
      %get3A_248 = arith.index_cast %mul3A_11 : i32 to index
      %get3A_249 = tpu.vector_load %arg6[%get3A_247, %get3A_248] {strides = array<i32>} : memref<16x512xf32, #tpu.memory_space<vmem>>, vector<1x16xf32>,
      %get3A_250 = vector.shape_cast %get3A_249 : vector<1x16xf32> to vector<16xf32>
      %select_n3A_251 = arith.select %eq3A_240, %get3A_250, %select_n3A_226 : vector<16xi1>, vector<16xf32>
      %get3A_252 = arith.constant 10 : i32
      %get3A_253 = arith.index_cast %get3A_252 : i32 to index
      %get3A_254 = arith.index_cast %mul3A_11 : i32 to index
      %get3A_255 = tpu.vector_load %arg6[%get3A_253, %get3A_254] {strides = array<i32>} : memref<16x512xf32, #tpu.memory_space<vmem>>, vector<1x16xf32>,
      %get3A_256 = vector.shape_cast %get3A_255 : vector<1x16xf32> to vector<16xf32>
      %select_n3A_257 = arith.select %eq3A_243, %get3A_256, %select_n3A_232 : vector<16xi1>, vector<16xf32>
      %get3A_258 = arith.constant 3 : i32
      %get3A_259 = arith.index_cast %get3A_258 : i32 to index
      %get3A_260 = arith.index_cast %mul3A_11 : i32 to index
      %get3A_261 = tpu.vector_load %arg7[%get3A_259, %get3A_260] {strides = array<i32>} : memref<8x512xf32, #tpu.memory_space<vmem>>, vector<1x16xf32>,
      %get3A_262 = vector.shape_cast %get3A_261 : vector<1x16xf32> to vector<16xf32>
      %eq3A_263 = arith.constant 3 : i32
      %eq3A_264 = vector.broadcast %eq3A_263 : i32 to vector<16xi32>
      %eq3A_265 = arith.cmpi eq, %select_n3A_86, %eq3A_264 : vector<16xi32>
      %eq3A_266 = arith.constant 3 : i32
      %eq3A_267 = vector.broadcast %eq3A_266 : i32 to vector<16xi32>
      %eq3A_268 = arith.cmpi eq, %select_n3A_174, %eq3A_267 : vector<16xi32>
      %select_n3A_269 = arith.select %eq3A_265, %get3A_262, %select_n3A_244 : vector<16xi1>, vector<16xf32>
      %select_n3A_270 = arith.select %eq3A_268, %get3A_262, %select_n3A_245 : vector<16xi1>, vector<16xf32>
      %get3A_271 = arith.constant 3 : i32
      %get3A_272 = arith.index_cast %get3A_271 : i32 to index
      %get3A_273 = arith.index_cast %mul3A_11 : i32 to index
      %get3A_274 = tpu.vector_load %arg6[%get3A_272, %get3A_273] {strides = array<i32>} : memref<16x512xf32, #tpu.memory_space<vmem>>, vector<1x16xf32>,
      %get3A_275 = vector.shape_cast %get3A_274 : vector<1x16xf32> to vector<16xf32>
      %select_n3A_276 = arith.select %eq3A_265, %get3A_275, %select_n3A_251 : vector<16xi1>, vector<16xf32>
      %get3A_277 = arith.constant 11 : i32
      %get3A_278 = arith.index_cast %get3A_277 : i32 to index
      %get3A_279 = arith.index_cast %mul3A_11 : i32 to index
      %get3A_280 = tpu.vector_load %arg6[%get3A_278, %get3A_279] {strides = array<i32>} : memref<16x512xf32, #tpu.memory_space<vmem>>, vector<1x16xf32>,
      %get3A_281 = vector.shape_cast %get3A_280 : vector<1x16xf32> to vector<16xf32>
      %select_n3A_282 = arith.select %eq3A_268, %get3A_281, %select_n3A_257 : vector<16xi1>, vector<16xf32>
      %get3A_283 = arith.constant 4 : i32
      %get3A_284 = arith.index_cast %get3A_283 : i32 to index
      %get3A_285 = arith.index_cast %mul3A_11 : i32 to index
      %get3A_286 = tpu.vector_load %arg7[%get3A_284, %get3A_285] {strides = array<i32>} : memref<8x512xf32, #tpu.memory_space<vmem>>, vector<1x16xf32>,
      %get3A_287 = vector.shape_cast %get3A_286 : vector<1x16xf32> to vector<16xf32>
      %eq3A_288 = arith.constant 4 : i32
      %eq3A_289 = vector.broadcast %eq3A_288 : i32 to vector<16xi32>
      %eq3A_290 = arith.cmpi eq, %select_n3A_86, %eq3A_289 : vector<16xi32>
      %eq3A_291 = arith.constant 4 : i32
      %eq3A_292 = vector.broadcast %eq3A_291 : i32 to vector<16xi32>
      %eq3A_293 = arith.cmpi eq, %select_n3A_174, %eq3A_292 : vector<16xi32>
      %select_n3A_294 = arith.select %eq3A_290, %get3A_287, %select_n3A_269 : vector<16xi1>, vector<16xf32>
      %select_n3A_295 = arith.select %eq3A_293, %get3A_287, %select_n3A_270 : vector<16xi1>, vector<16xf32>
      %get3A_296 = arith.constant 4 : i32
      %get3A_297 = arith.index_cast %get3A_296 : i32 to index
      %get3A_298 = arith.index_cast %mul3A_11 : i32 to index
      %get3A_299 = tpu.vector_load %arg6[%get3A_297, %get3A_298] {strides = array<i32>} : memref<16x512xf32, #tpu.memory_space<vmem>>, vector<1x16xf32>,
      %get3A_300 = vector.shape_cast %get3A_299 : vector<1x16xf32> to vector<16xf32>
      %select_n3A_301 = arith.select %eq3A_290, %get3A_300, %select_n3A_276 : vector<16xi1>, vector<16xf32>
      %get3A_302 = arith.constant 12 : i32
      %get3A_303 = arith.index_cast %get3A_302 : i32 to index
      %get3A_304 = arith.index_cast %mul3A_11 : i32 to index
      %get3A_305 = tpu.vector_load %arg6[%get3A_303, %get3A_304] {strides = array<i32>} : memref<16x512xf32, #tpu.memory_space<vmem>>, vector<1x16xf32>,
      %get3A_306 = vector.shape_cast %get3A_305 : vector<1x16xf32> to vector<16xf32>
      %select_n3A_307 = arith.select %eq3A_293, %get3A_306, %select_n3A_282 : vector<16xi1>, vector<16xf32>
      %get3A_308 = arith.constant 5 : i32
      %get3A_309 = arith.index_cast %get3A_308 : i32 to index
      %get3A_310 = arith.index_cast %mul3A_11 : i32 to index
      %get3A_311 = tpu.vector_load %arg7[%get3A_309, %get3A_310] {strides = array<i32>} : memref<8x512xf32, #tpu.memory_space<vmem>>, vector<1x16xf32>,
      %get3A_312 = vector.shape_cast %get3A_311 : vector<1x16xf32> to vector<16xf32>
      %eq3A_313 = arith.constant 5 : i32
      %eq3A_314 = vector.broadcast %eq3A_313 : i32 to vector<16xi32>
      %eq3A_315 = arith.cmpi eq, %select_n3A_86, %eq3A_314 : vector<16xi32>
      %eq3A_316 = arith.constant 5 : i32
      %eq3A_317 = vector.broadcast %eq3A_316 : i32 to vector<16xi32>
      %eq3A_318 = arith.cmpi eq, %select_n3A_174, %eq3A_317 : vector<16xi32>
      %select_n3A_319 = arith.select %eq3A_315, %get3A_312, %select_n3A_294 : vector<16xi1>, vector<16xf32>
      %select_n3A_320 = arith.select %eq3A_318, %get3A_312, %select_n3A_295 : vector<16xi1>, vector<16xf32>
      %get3A_321 = arith.constant 5 : i32
      %get3A_322 = arith.index_cast %get3A_321 : i32 to index
      %get3A_323 = arith.index_cast %mul3A_11 : i32 to index
      %get3A_324 = tpu.vector_load %arg6[%get3A_322, %get3A_323] {strides = array<i32>} : memref<16x512xf32, #tpu.memory_space<vmem>>, vector<1x16xf32>,
      %get3A_325 = vector.shape_cast %get3A_324 : vector<1x16xf32> to vector<16xf32>
      %select_n3A_326 = arith.select %eq3A_315, %get3A_325, %select_n3A_301 : vector<16xi1>, vector<16xf32>
      %get3A_327 = arith.constant 13 : i32
      %get3A_328 = arith.index_cast %get3A_327 : i32 to index
      %get3A_329 = arith.index_cast %mul3A_11 : i32 to index
      %get3A_330 = tpu.vector_load %arg6[%get3A_328, %get3A_329] {strides = array<i32>} : memref<16x512xf32, #tpu.memory_space<vmem>>, vector<1x16xf32>,
      %get3A_331 = vector.shape_cast %get3A_330 : vector<1x16xf32> to vector<16xf32>
      %select_n3A_332 = arith.select %eq3A_318, %get3A_331, %select_n3A_307 : vector<16xi1>, vector<16xf32>
      %get3A_333 = arith.constant 6 : i32
      %get3A_334 = arith.index_cast %get3A_333 : i32 to index
      %get3A_335 = arith.index_cast %mul3A_11 : i32 to index
      %get3A_336 = tpu.vector_load %arg7[%get3A_334, %get3A_335] {strides = array<i32>} : memref<8x512xf32, #tpu.memory_space<vmem>>, vector<1x16xf32>,
      %get3A_337 = vector.shape_cast %get3A_336 : vector<1x16xf32> to vector<16xf32>
      %eq3A_338 = arith.constant 6 : i32
      %eq3A_339 = vector.broadcast %eq3A_338 : i32 to vector<16xi32>
      %eq3A_340 = arith.cmpi eq, %select_n3A_86, %eq3A_339 : vector<16xi32>
      %eq3A_341 = arith.constant 6 : i32
      %eq3A_342 = vector.broadcast %eq3A_341 : i32 to vector<16xi32>
      %eq3A_343 = arith.cmpi eq, %select_n3A_174, %eq3A_342 : vector<16xi32>
      %select_n3A_344 = arith.select %eq3A_340, %get3A_337, %select_n3A_319 : vector<16xi1>, vector<16xf32>
      %select_n3A_345 = arith.select %eq3A_343, %get3A_337, %select_n3A_320 : vector<16xi1>, vector<16xf32>
      %get3A_346 = arith.constant 6 : i32
      %get3A_347 = arith.index_cast %get3A_346 : i32 to index
      %get3A_348 = arith.index_cast %mul3A_11 : i32 to index
      %get3A_349 = tpu.vector_load %arg6[%get3A_347, %get3A_348] {strides = array<i32>} : memref<16x512xf32, #tpu.memory_space<vmem>>, vector<1x16xf32>,
      %get3A_350 = vector.shape_cast %get3A_349 : vector<1x16xf32> to vector<16xf32>
      %select_n3A_351 = arith.select %eq3A_340, %get3A_350, %select_n3A_326 : vector<16xi1>, vector<16xf32>
      %get3A_352 = arith.constant 14 : i32
      %get3A_353 = arith.index_cast %get3A_352 : i32 to index
      %get3A_354 = arith.index_cast %mul3A_11 : i32 to index
      %get3A_355 = tpu.vector_load %arg6[%get3A_353, %get3A_354] {strides = array<i32>} : memref<16x512xf32, #tpu.memory_space<vmem>>, vector<1x16xf32>,
      %get3A_356 = vector.shape_cast %get3A_355 : vector<1x16xf32> to vector<16xf32>
      %select_n3A_357 = arith.select %eq3A_343, %get3A_356, %select_n3A_332 : vector<16xi1>, vector<16xf32>
      %get3A_358 = arith.constant 7 : i32
      %get3A_359 = arith.index_cast %get3A_358 : i32 to index
      %get3A_360 = arith.index_cast %mul3A_11 : i32 to index
      %get3A_361 = tpu.vector_load %arg7[%get3A_359, %get3A_360] {strides = array<i32>} : memref<8x512xf32, #tpu.memory_space<vmem>>, vector<1x16xf32>,
      %get3A_362 = vector.shape_cast %get3A_361 : vector<1x16xf32> to vector<16xf32>
      %eq3A_363 = arith.constant 7 : i32
      %eq3A_364 = vector.broadcast %eq3A_363 : i32 to vector<16xi32>
      %eq3A_365 = arith.cmpi eq, %select_n3A_86, %eq3A_364 : vector<16xi32>
      %eq3A_366 = arith.constant 7 : i32
      %eq3A_367 = vector.broadcast %eq3A_366 : i32 to vector<16xi32>
      %eq3A_368 = arith.cmpi eq, %select_n3A_174, %eq3A_367 : vector<16xi32>
      %select_n3A_369 = arith.select %eq3A_365, %get3A_362, %select_n3A_344 : vector<16xi1>, vector<16xf32>
      %select_n3A_370 = arith.select %eq3A_368, %get3A_362, %select_n3A_345 : vector<16xi1>, vector<16xf32>
      %get3A_371 = arith.constant 7 : i32
      %get3A_372 = arith.index_cast %get3A_371 : i32 to index
      %get3A_373 = arith.index_cast %mul3A_11 : i32 to index
      %get3A_374 = tpu.vector_load %arg6[%get3A_372, %get3A_373] {strides = array<i32>} : memref<16x512xf32, #tpu.memory_space<vmem>>, vector<1x16xf32>,
      %get3A_375 = vector.shape_cast %get3A_374 : vector<1x16xf32> to vector<16xf32>
      %select_n3A_376 = arith.select %eq3A_365, %get3A_375, %select_n3A_351 : vector<16xi1>, vector<16xf32>
      %get3A_377 = arith.constant 15 : i32
      %get3A_378 = arith.index_cast %get3A_377 : i32 to index
      %get3A_379 = arith.index_cast %mul3A_11 : i32 to index
      %get3A_380 = tpu.vector_load %arg6[%get3A_378, %get3A_379] {strides = array<i32>} : memref<16x512xf32, #tpu.memory_space<vmem>>, vector<1x16xf32>,
      %get3A_381 = vector.shape_cast %get3A_380 : vector<1x16xf32> to vector<16xf32>
      %select_n3A_382 = arith.select %eq3A_368, %get3A_381, %select_n3A_357 : vector<16xi1>, vector<16xf32>
      %mul3A_383 = arith.mulf %select_n3A_376, %select_n3A_369 : vector<16xf32>
      %mul3A_384 = arith.mulf %select_n3A_382, %select_n3A_370 : vector<16xf32>
      %add3A_385 = arith.addf %mul3A_383, %mul3A_384 : vector<16xf32>
      %add3A_386 = arith.addf %select_n3A_369, %select_n3A_370 : vector<16xf32>
      %div3A = arith.divf %add3A_385, %add3A_386 : vector<16xf32>
      %swap3A = arith.index_cast %mul3A_11 : i32 to index
      %swap3A_387 = tpu.vector_load %arg9[%swap3A] {strides = array<i32>} : memref<512xf32, #tpu.memory_space<vmem>>, vector<16xf32>,
      %swap3A_388 = vector.shape_cast %swap3A_387 : vector<16xf32> to vector<16xf32>
      %swap3A_389 = vector.shape_cast %div3A : vector<16xf32> to vector<16xf32>
      tpu.vector_store %arg9[%swap3A], %swap3A_389 {strides = array<i32>} : memref<512xf32, #tpu.memory_space<vmem>>, vector<16xf32>,
    }
    %scan3A_8 = arith.constant 32 : i32
    "tpu.region"() ({
      %run_scoped3A = tpu.sem_alloc : memref<!tpu.dma_semaphore, #tpu.memory_space<semaphore_mem>>
      %dma_start3A = tpu.memref_slice %arg5[%mul3A_2] : memref<16384xf32, #tpu.memory_space<hbm>> -> memref<512xf32, #tpu.memory_space<hbm>>
      %dma_start3A_9 = tpu.memref_slice %arg5[%mul3A_2] : memref<16384xf32, #tpu.memory_space<hbm>> -> memref<512xf32, #tpu.memory_space<hbm>>
      tpu.enqueue_dma source(%arg9 : memref<512xf32, #tpu.memory_space<vmem>>) target(%dma_start3A_9 : memref<512xf32, #tpu.memory_space<hbm>>) target_semaphore(%run_scoped3A : memref<!tpu.dma_semaphore, #tpu.memory_space<semaphore_mem>>)
      %dma_wait3A = tpu.memref_slice %arg5[%mul3A_2] : memref<16384xf32, #tpu.memory_space<hbm>> -> memref<512xf32, #tpu.memory_space<hbm>>
      %dma_wait3A_10 = tpu.memref_slice %arg5[%mul3A_2] : memref<16384xf32, #tpu.memory_space<hbm>> -> memref<512xf32, #tpu.memory_space<hbm>>
      tpu.wait_dma2 semaphore(%run_scoped3A : memref<!tpu.dma_semaphore, #tpu.memory_space<semaphore_mem>>) src(%arg9 : memref<512xf32, #tpu.memory_space<vmem>>) dst(%dma_wait3A_10 : memref<512xf32, #tpu.memory_space<hbm>>)
      tpu.yield
    }) : () -> ()
    return
  }
}

module attributes {stable_mosaic.version = 14 : i64} {
  func.func @_tc_stage1(%arg0: i32, %arg1: memref<1024x128xf32, #tpu.memory_space<vmem>>, %arg2: memref<8x128xf32, #tpu.memory_space<vmem>>, %arg3: memref<8x1xf32, #tpu.memory_space<vmem>>, %arg4: memref<8x1xf32, #tpu.memory_space<vmem>>, %arg5: memref<128x2048xbf16, #tpu.memory_space<vmem>>, %arg6: memref<1x2048xf32, #tpu.memory_space<vmem>>, %arg7: memref<2048x16xbf16, #tpu.memory_space<vmem>>, %arg8: memref<1x16xf32, #tpu.memory_space<vmem>>, %arg9: memref<16x1024xf32, #tpu.memory_space<vmem>>, %arg10: memref<8x1024xf32, #tpu.memory_space<vmem>>, %arg11: memref<8x1024xf32, #tpu.memory_space<vmem>>) attributes {dimension_semantics = [#tpu.dimension_semantics<arbitrary>], iteration_bounds = array<i64: 16>, scalar_prefetch = 0 : i64, scratch_operands = 0 : i64, tpu.core_type = #tpu.core_type<tc>, window_params = [{transform_indices = @transform_0, window_bounds = array<i64: 1024, 128>}, {pipeline_mode = #tpu.pipeline_mode<synchronous>, transform_indices = @transform_1, window_bounds = array<i64: 8, 128>}, {pipeline_mode = #tpu.pipeline_mode<synchronous>, transform_indices = @transform_2, window_bounds = array<i64: 8, 1>}, {pipeline_mode = #tpu.pipeline_mode<synchronous>, transform_indices = @transform_3, window_bounds = array<i64: 8, 1>}, {pipeline_mode = #tpu.pipeline_mode<synchronous>, transform_indices = @transform_4, window_bounds = array<i64: 128, 2048>}, {pipeline_mode = #tpu.pipeline_mode<synchronous>, transform_indices = @transform_5, window_bounds = array<i64: 1, 2048>}, {pipeline_mode = #tpu.pipeline_mode<synchronous>, transform_indices = @transform_6, window_bounds = array<i64: 2048, 16>}, {pipeline_mode = #tpu.pipeline_mode<synchronous>, transform_indices = @transform_7, window_bounds = array<i64: 1, 16>}, {transform_indices = @transform_8, window_bounds = array<i64: 16, 1024>}, {transform_indices = @transform_9, window_bounds = array<i64: 8, 1024>}, {transform_indices = @transform_10, window_bounds = array<i64: 8, 1024>}]} {
    %get3A = arith.constant 0 : index
    %get3A_0 = arith.constant 0 : index
    %get3A_1 = vector.load %arg1[%get3A, %get3A_0] : memref<1024x128xf32, #tpu.memory_space<vmem>>, vector<1024x128xf32>
    %get3A_2 = arith.constant 0 : index
    %get3A_3 = arith.constant 0 : index
    %get3A_4 = vector.load %arg2[%get3A_2, %get3A_3] : memref<8x128xf32, #tpu.memory_space<vmem>>, vector<8x128xf32>
    %dot_general3A = arith.constant dense<0.000000e+00> : vector<8x1024xf32>
    %dot_general3A_5 = tpu.matmul %get3A_4, %get3A_1, %dot_general3A {dimension_numbers = #tpu.dot_dimension_numbers<[1], [1], [0], [0], [0, 0, 1, 0], [], []>, transpose_lhs_hint = false} : vector<8x128xf32>, vector<1024x128xf32>, vector<8x1024xf32> -> vector<8x1024xf32>
    %get3A_6 = arith.constant 0 : index
    %get3A_7 = arith.constant 0 : index
    %get3A_8 = vector.load %arg3[%get3A_6, %get3A_7] : memref<8x1xf32, #tpu.memory_space<vmem>>, vector<8x1xf32>
    %add3A = vector.broadcast %get3A_8 : vector<8x1xf32> to vector<8x1024xf32>
    %add3A_9 = arith.addf %dot_general3A_5, %add3A : vector<8x1024xf32>
    %logistic3A = arith.negf %add3A_9 : vector<8x1024xf32>
    %logistic3A_10 = math.exp %logistic3A : vector<8x1024xf32>
    %logistic3A_11 = arith.constant 1.000000e+00 : f32
    %logistic3A_12 = vector.broadcast %logistic3A_11 : f32 to vector<8x1024xf32>
    %logistic3A_13 = arith.addf %logistic3A_12, %logistic3A_10 : vector<8x1024xf32>
    %logistic3A_14 = arith.divf %logistic3A_12, %logistic3A_13 : vector<8x1024xf32>
    %swap3A = arith.constant 0 : index
    %swap3A_15 = arith.constant 0 : index
    %swap3A_16 = vector.load %arg10[%swap3A, %swap3A_15] : memref<8x1024xf32, #tpu.memory_space<vmem>>, vector<8x1024xf32>
    tpu.vector_store %arg10[%swap3A, %swap3A_15], %logistic3A_14 {strides = array<i32>} : memref<8x1024xf32, #tpu.memory_space<vmem>>, vector<8x1024xf32>,
    %get3A_17 = arith.constant 0 : index
    %get3A_18 = arith.constant 0 : index
    %get3A_19 = vector.load %arg4[%get3A_17, %get3A_18] : memref<8x1xf32, #tpu.memory_space<vmem>>, vector<8x1xf32>
    %add3A_20 = vector.broadcast %get3A_19 : vector<8x1xf32> to vector<8x1024xf32>
    %add3A_21 = arith.addf %add3A_9, %add3A_20 : vector<8x1024xf32>
    %swap3A_22 = arith.constant 0 : index
    %swap3A_23 = arith.constant 0 : index
    %swap3A_24 = vector.load %arg11[%swap3A_22, %swap3A_23] : memref<8x1024xf32, #tpu.memory_space<vmem>>, vector<8x1024xf32>
    tpu.vector_store %arg11[%swap3A_22, %swap3A_23], %add3A_21 {strides = array<i32>} : memref<8x1024xf32, #tpu.memory_space<vmem>>, vector<8x1024xf32>,
    %convert_element_type3A = arith.truncf %get3A_1 : vector<1024x128xf32> to vector<1024x128xbf16>
    %get3A_25 = arith.constant 0 : index
    %get3A_26 = arith.constant 0 : index
    %get3A_27 = vector.load %arg5[%get3A_25, %get3A_26] : memref<128x2048xbf16, #tpu.memory_space<vmem>>, vector<128x2048xbf16>
    %dot_general3A_28 = arith.constant dense<0.000000e+00> : vector<1024x2048xf32>
    %dot_general3A_29 = tpu.matmul %convert_element_type3A, %get3A_27, %dot_general3A_28 {dimension_numbers = #tpu.dot_dimension_numbers<[1], [0], [0], [1], [0, 0, 1, 1], [], []>, transpose_lhs_hint = false} : vector<1024x128xbf16>, vector<128x2048xbf16>, vector<1024x2048xf32> -> vector<1024x2048xf32>
    %mul3A = arith.constant 0.707106769 : f32
    %mul3A_30 = vector.broadcast %mul3A : f32 to vector<1024x2048xf32>
    %mul3A_31 = arith.mulf %dot_general3A_29, %mul3A_30 : vector<1024x2048xf32>
    %erf3A = math.erf %mul3A_31 : vector<1024x2048xf32>
    %mul3A_32 = arith.constant 5.000000e-01 : f32
    %mul3A_33 = vector.broadcast %mul3A_32 : f32 to vector<1024x2048xf32>
    %mul3A_34 = arith.mulf %erf3A, %mul3A_33 : vector<1024x2048xf32>
    %add3A_35 = arith.constant 5.000000e-01 : f32
    %add3A_36 = vector.broadcast %add3A_35 : f32 to vector<1024x2048xf32>
    %add3A_37 = arith.addf %mul3A_34, %add3A_36 : vector<1024x2048xf32>
    %mul3A_38 = arith.mulf %dot_general3A_29, %add3A_37 : vector<1024x2048xf32>
    %convert_element_type3A_39 = arith.truncf %mul3A_38 : vector<1024x2048xf32> to vector<1024x2048xbf16>
    %get3A_40 = arith.constant 0 : index
    %get3A_41 = arith.constant 0 : index
    %get3A_42 = vector.load %arg7[%get3A_40, %get3A_41] : memref<2048x16xbf16, #tpu.memory_space<vmem>>, vector<2048x16xbf16>
    %dot_general3A_43 = arith.constant dense<0.000000e+00> : vector<1024x16xf32>
    %dot_general3A_44 = tpu.matmul %convert_element_type3A_39, %get3A_42, %dot_general3A_43 {dimension_numbers = #tpu.dot_dimension_numbers<[1], [0], [0], [1], [0, 0, 1, 1], [], []>, transpose_lhs_hint = false} : vector<1024x2048xbf16>, vector<2048x16xbf16>, vector<1024x16xf32> -> vector<1024x16xf32>
    %get3A_45 = arith.constant 0 : index
    %get3A_46 = arith.constant 0 : index
    %get3A_47 = vector.load %arg8[%get3A_45, %get3A_46] : memref<1x16xf32, #tpu.memory_space<vmem>>, vector<1x16xf32>
    %add3A_48 = vector.broadcast %get3A_47 : vector<1x16xf32> to vector<1024x16xf32>
    %add3A_49 = arith.addf %dot_general3A_44, %add3A_48 : vector<1024x16xf32>
    %transpose3A = tpu.transpose %add3A_49, [1, 0] : vector<1024x16xf32> -> vector<16x1024xf32>
    %swap3A_50 = arith.constant 0 : index
    %swap3A_51 = arith.constant 0 : index
    %swap3A_52 = vector.load %arg9[%swap3A_50, %swap3A_51] : memref<16x1024xf32, #tpu.memory_space<vmem>>, vector<16x1024xf32>
    tpu.vector_store %arg9[%swap3A_50, %swap3A_51], %transpose3A {strides = array<i32>} : memref<16x1024xf32, #tpu.memory_space<vmem>>, vector<16x1024xf32>,
    return
  }
  func.func @transform_0(%arg0: i32) -> (i32, i32) {
    %c0_i32 = arith.constant 0 : i32
    %c0_i32_0 = arith.constant 0 : i32
    return %arg0, %c0_i32 : i32, i32
  }
  func.func @transform_1(%arg0: i32) -> (i32, i32) {
    %c0_i32 = arith.constant 0 : i32
    %c0_i32_0 = arith.constant 0 : i32
    %c0_i32_1 = arith.constant 0 : i32
    return %c0_i32, %c0_i32_0 : i32, i32
  }
  func.func @transform_2(%arg0: i32) -> (i32, i32) {
    %c0_i32 = arith.constant 0 : i32
    %c0_i32_0 = arith.constant 0 : i32
    %c0_i32_1 = arith.constant 0 : i32
    return %c0_i32, %c0_i32_0 : i32, i32
  }
  func.func @transform_3(%arg0: i32) -> (i32, i32) {
    %c0_i32 = arith.constant 0 : i32
    %c0_i32_0 = arith.constant 0 : i32
    %c0_i32_1 = arith.constant 0 : i32
    return %c0_i32, %c0_i32_0 : i32, i32
  }
  func.func @transform_4(%arg0: i32) -> (i32, i32) {
    %c0_i32 = arith.constant 0 : i32
    %c0_i32_0 = arith.constant 0 : i32
    %c0_i32_1 = arith.constant 0 : i32
    return %c0_i32, %c0_i32_0 : i32, i32
  }
  func.func @transform_5(%arg0: i32) -> (i32, i32) {
    %c0_i32 = arith.constant 0 : i32
    %c0_i32_0 = arith.constant 0 : i32
    %c0_i32_1 = arith.constant 0 : i32
    return %c0_i32, %c0_i32_0 : i32, i32
  }
  func.func @transform_6(%arg0: i32) -> (i32, i32) {
    %c0_i32 = arith.constant 0 : i32
    %c0_i32_0 = arith.constant 0 : i32
    %c0_i32_1 = arith.constant 0 : i32
    return %c0_i32, %c0_i32_0 : i32, i32
  }
  func.func @transform_7(%arg0: i32) -> (i32, i32) {
    %c0_i32 = arith.constant 0 : i32
    %c0_i32_0 = arith.constant 0 : i32
    %c0_i32_1 = arith.constant 0 : i32
    return %c0_i32, %c0_i32_0 : i32, i32
  }
  func.func @transform_8(%arg0: i32) -> (i32, i32) {
    %c0_i32 = arith.constant 0 : i32
    %c0_i32_0 = arith.constant 0 : i32
    return %c0_i32, %arg0 : i32, i32
  }
  func.func @transform_9(%arg0: i32) -> (i32, i32) {
    %c0_i32 = arith.constant 0 : i32
    %c0_i32_0 = arith.constant 0 : i32
    return %c0_i32, %arg0 : i32, i32
  }
  func.func @transform_10(%arg0: i32) -> (i32, i32) {
    %c0_i32 = arith.constant 0 : i32
    %c0_i32_0 = arith.constant 0 : i32
    return %c0_i32, %arg0 : i32, i32
  }
}

module attributes {stable_mosaic.version = 14 : i64} {
  func.func @_tc_bcast(%arg0: i32, %arg1: memref<1024x1xf32, #tpu.memory_space<vmem>>, %arg2: memref<1024x128xf32, #tpu.memory_space<vmem>>) attributes {dimension_semantics = [#tpu.dimension_semantics<arbitrary>], iteration_bounds = array<i64: 16>, scalar_prefetch = 0 : i64, scratch_operands = 0 : i64, tpu.core_type = #tpu.core_type<tc>, window_params = [{transform_indices = @transform_0, window_bounds = array<i64: 1024, 1>}, {transform_indices = @transform_1, window_bounds = array<i64: 1024, 128>}]} {
    %get3A = arith.constant 0 : index
    %get3A_0 = arith.constant 0 : index
    %get3A_1 = vector.load %arg1[%get3A, %get3A_0] : memref<1024x1xf32, #tpu.memory_space<vmem>>, vector<1024x1xf32>
    %broadcast_in_dim3A = vector.shape_cast %get3A_1 : vector<1024x1xf32> to vector<1024x1xf32>
    %broadcast_in_dim3A_2 = vector.broadcast %broadcast_in_dim3A : vector<1024x1xf32> to vector<1024x128xf32>
    %swap3A = arith.constant 0 : index
    %swap3A_3 = arith.constant 0 : index
    %swap3A_4 = vector.load %arg2[%swap3A, %swap3A_3] : memref<1024x128xf32, #tpu.memory_space<vmem>>, vector<1024x128xf32>
    tpu.vector_store %arg2[%swap3A, %swap3A_3], %broadcast_in_dim3A_2 {strides = array<i32>} : memref<1024x128xf32, #tpu.memory_space<vmem>>, vector<1024x128xf32>,
    return
  }
  func.func @transform_0(%arg0: i32) -> (i32, i32) {
    %c0_i32 = arith.constant 0 : i32
    %c0_i32_0 = arith.constant 0 : i32
    return %arg0, %c0_i32 : i32, i32
  }
  func.func @transform_1(%arg0: i32) -> (i32, i32) {
    %c0_i32 = arith.constant 0 : i32
    %c0_i32_0 = arith.constant 0 : i32
    return %arg0, %c0_i32 : i32, i32
  }
}

</mosaic_0001>

<sc_bundles>
// kernel: kernel.5.cloned.1.call-start
scs
__scs_entry_jumppad:
0x0: {  	(pc) =	sbr.rel $0x88, $3  }
0x1: {  	(tag) =	ssettag $0x0;
	lr =	simm.s32 $0x1  }
0x2: {  	[smem:$0x3F99] =	sst lr;
	_ =	strace $0xD0000000  }
0x3: {  	_ = 	snop  }
0x4: {  	_ = 	snop  }
0x5: {  	_ = 	snop  }
0x6: {  	_ = 	snop  }
0x7: {  	_ = 	snop  }
__scs_overlays_trampoline_lowered:
0x8: {  	[smem:$0x3FA8] =	sst s0  }
0x9: {  	[smem:$0x3FA9] =	sst s1  }
0xa: {  	[smem:$0x3FAA] =	sst s2  }
0xb: {  	[smem:$0x3FAB] =	sst s3  }
0xc: {  	[smem:$0x3FAC] =	sst s4  }
0xd: {  	[smem:$0x3FAD] =	sst s5  }
0xe: {  	[smem:$0x3FAE] =	sst s6  }
0xf: {  	[smem:$0x3FAF] =	sst s7  }
0x10: {  	[smem:$0x3FB0] =	sst s8  }
0x11: {  	[smem:$0x3FB1] =	sst s9;
	s0 =	simm.s32 @!p0 $0x0  }
0x12: {  	s1 =	sld [smem:$0x3F97];
	s0 =	simm.s32 @p0 $0x1  }
0x13: {  	[smem:$0x3FB2] =	sst s0;
	s0 =	simm.s32 @!p1 $0x0  }
0x14: {  	s2 =	sld [smem:$0x3F96];
	s0 =	simm.s32 @p1 $0x1  }
0x15: {  	[smem:$0x3FB3] =	sst s0;
	s0 =	simm.s32 @!p2 $0x0  }
0x16: {  	s3 =	sld [smem:$0x3FDB];
	s0 =	simm.s32 @p2 $0x1  }
0x17: {  	s4 =	simm.s32 $0x1BF5;
	[smem:$0x3FB5] =	sst s0  }
0x18: {  	s0 =	sld [smem:$0x3F98];
	_ =	swait.ge [sflag:s4], $0x0  }
0x19: {  	s7 =	sld [smem:$0x3F99]  }
0x1a: {  	s8 =	sadd.s32 $0xFFFFE003, lr  }
0x1b: {  	s9 =	sadd.s32 $0xFFFFFEF7, lr;
	s5 =	simm.s32 $0xFFFFFFFF;
	p2 =	slt.u32 s8, $0xFFFFF086  }
0x1c: {  	p1 =	slt.u32 s9, $0xF7A;
	s5 =	simm.s32 @!p2 $0x0  }
0x1d: {  	s5 =	simm.s32 @p1 $0x1;
	p0 =	seq.s32 s7, s2  }
0x1e: {  	s7 =	smul.u32 @!p0 $0xF7A, s2;
	p2 =	seq.s32 @!p0 s5, $0x0  }
0x1f: {  	s9 =	smul.u32 $0xF7A, s1;
	s8 =	simm.s32 @!p0 $0x1BF5;
	p2 =	por !p2, p0  }
0x20: {  	[sflag:s8] =	ssyncset.s32 @!p0 $0xFFFFF086;
	s6 =	sadd.s32 @!p0 s3, s7;
	s7 =	simm.s32 @!p0 $0x108  }
0x21: {  	s3 =	sadd.s32 s3, s9;
	s6 =	sadd.s32 @!p0 $0x88, s6;
	s7 =	simm.s32 @p2 $0x1082  }
0x22: {  	[simem:s7], [sflag:s8] =	dma.local @!p0 [hbm:s6], $0xF7A  }
0x23: {  	s9 =	sor.u32 $0xD0000000, s2;
	s6 =	simm.s32 $0x108;
	_ =	swait.ge @!p0 [sflag:s8], $0x0  }
0x24: {  	s3 =	sadd.s32 $0x88, s3;
	s6 =	simm.s32 @!p1 $0x1082;
	[sflag:s4] =	ssyncset.s32 $0xFFFFF086  }
0x25: {  	[simem:s6], [sflag:s4] =	dma.local [hbm:s3], $0xF7A  }
0x26: {  	[smem:$0x3F99] =	sst s1;
	(tag) =	ssettag s2;
	_ =	strace s9  }
0x27: {  	s1 =	sld [smem:$0x3FA9]  }
0x28: {  	s2 =	sld [smem:$0x3FAA]  }
0x29: {  	s4 =	sld [smem:$0x3FAC]  }
0x2a: {  	p0 =	seq.s32 s5, $0x0;
	s5 =	sld [smem:$0x3FAD]  }
0x2b: {  	s6 =	sld [smem:$0x3FAE]  }
0x2c: {  	s7 =	sld [smem:$0x3FAF]  }
0x2d: {  	s3 =	simm.s32 $0x108;
	s8 =	sld [smem:$0x3FB0]  }
0x2e: {  	s3 =	simm.s32 @!p0 $0x1082;
	s9 =	sld [smem:$0x3FB1]  }
0x2f: {  	lr =	sadd.s32 s0, s3;
	s0 =	sld [smem:$0x3FA8]  }
0x30: {  	s3 =	sld [smem:$0x3FAB]  }
0x31: {  	[smem:$0x3FB4] =	sst s10  }
0x32: {  	s10 =	sld [smem:$0x3FB2];
	_ =	sdelay $0x3  }
0x33: {  	p0 =	seq.s32 s10, $0x1;
	s10 =	sld [smem:$0x3FB4];
	_ =	sdelay $0x3  }
0x34: {  	[smem:$0x3FB4] =	sst s10  }
0x35: {  	s10 =	sld [smem:$0x3FB3];
	_ =	sdelay $0x3  }
0x36: {  	p1 =	seq.s32 s10, $0x1;
	s10 =	sld [smem:$0x3FB4];
	_ =	sdelay $0x3  }
0x37: {  	[smem:$0x3FB4] =	sst s10  }
0x38: {  	s10 =	sld [smem:$0x3FB5]  }
0x39: {  	_ = 	snop;
	(pc) =	sbr.ind lr, $3  }
0x3a: {  	_ = 	snop  }
0x3b: {  	_ = 	snop  }
0x3c: {  	p2 =	seq.s32 s10, $0x1;
	s10 =	sld [smem:$0x3FB4]  }
0x3d: {  	_ =	shalt  }
0x3e: {  	_ =	shalt  }
0x3f: {  	_ =	shalt  }
0x40: {  	_ =	shalt  }
0x41: {  	_ =	shalt  }
0x42: {  	_ =	shalt  }
0x43: {  	_ =	shalt  }
0x44: {  	_ =	shalt  }
0x45: {  	_ =	shalt  }
0x46: {  	_ =	shalt  }
0x47: {  	_ =	shalt  }
0x48: {  	_ =	shalt  }
0x49: {  	_ =	shalt  }
0x4a: {  	_ =	shalt  }
0x4b: {  	_ =	shalt  }
0x4c: {  	_ =	shalt  }
0x4d: {  	_ =	shalt  }
0x4e: {  	_ =	shalt  }
0x4f: {  	_ =	shalt  }
0x50: {  	_ =	shalt  }
0x51: {  	_ =	shalt  }
0x52: {  	_ =	shalt  }
0x53: {  	_ =	shalt  }
0x54: {  	_ =	shalt  }
0x55: {  	_ =	shalt  }
0x56: {  	_ =	shalt  }
0x57: {  	_ =	shalt  }
0x58: {  	_ =	shalt  }
0x59: {  	_ =	shalt  }
0x5a: {  	_ =	shalt  }
0x5b: {  	_ =	shalt  }
0x5c: {  	_ =	shalt  }
0x5d: {  	_ =	shalt  }
0x5e: {  	_ =	shalt  }
0x5f: {  	_ =	shalt  }
0x60: {  	_ =	shalt  }
0x61: {  	_ =	shalt  }
0x62: {  	_ =	shalt  }
0x63: {  	_ =	shalt  }
0x64: {  	_ =	shalt  }
0x65: {  	_ =	shalt  }
0x66: {  	_ =	shalt  }
0x67: {  	_ =	shalt  }
0x68: {  	_ =	shalt  }
0x69: {  	_ =	shalt  }
0x6a: {  	_ =	shalt  }
0x6b: {  	_ =	shalt  }
0x6c: {  	_ =	shalt  }
0x6d: {  	_ =	shalt  }
0x6e: {  	_ =	shalt  }
0x6f: {  	_ =	shalt  }
0x70: {  	_ =	shalt  }
0x71: {  	_ =	shalt  }
0x72: {  	_ =	shalt  }
0x73: {  	_ =	shalt  }
0x74: {  	_ =	shalt  }
0x75: {  	_ =	shalt  }
0x76: {  	_ =	shalt  }
0x77: {  	_ =	shalt  }
0x78: {  	_ =	shalt  }
0x79: {  	_ =	shalt  }
0x7a: {  	_ =	shalt  }
0x7b: {  	_ =	shalt  }
0x7c: {  	_ =	shalt  }
0x7d: {  	_ =	shalt  }
0x7e: {  	_ =	shalt  }
0x7f: {  	_ =	shalt  }
0x80: {  	_ =	shalt  }
0x81: {  	_ =	shalt  }
0x82: {  	_ =	shalt  }
0x83: {  	_ =	shalt  }
0x84: {  	_ =	shalt  }
0x85: {  	_ =	shalt  }
0x86: {  	_ =	shalt  }
0x87: {  	_ =	shalt  }
.Lfunc_end0:
.L_simem_size_0:
called_computation_lowered:
.L_overlay_start_0:
0x88: {  	s2 =	sld [smem:$0x3FD9]  }
0x89: {  	s3 =	sld [smem:$0x3FFE];
	_ =	sdelay $0x1  }
0x8a: {  	s1 =	srdreg.scid  }
0x8b: {  	s0 =	sand.u32 $0x1, s1  }
0x8c: {  	s17 =	sshll.u32 s0, $0xA;
	s2 =	sadd.s32 s3, s2  }
0x8d: {  	s2 =	sadd.s32 s2, s17  }
0x8e: {  	[smem:$0x3FC0] =	sst s2  }
0x8f: {  	_ = 	snop  }
0x90: {  	s2 =	sld [smem:$0x3FD0];
	(tm) =	ssettm $0x1  }
0x91: {  	s18 =	sld [smem:$0x3FFB];
	_ =	sdelay $0x3  }
0x92: {  	_ =	strace s18  }
0x93: {  	s3 =	sld [smem:$0x3FFC];
	_ =	sdelay $0x3  }
0x94: {  	_ =	strace s3  }
0x95: {  	s3 =	sld [smem:$0x3FFD];
	_ =	sdelay $0x3  }
0x96: {  	_ =	strace s3  }
0x97: {  	_ =	strace $0x8FFFFFFF  }
0x98: {  	s19 =	sld [smem:$0x3FDB];
	_ =	sdelay $0x1  }
0x99: {  	s4 =	simm.s32 $_scs_section_size  }
0x9a: {  	s5 =	simm.s32 $_size__tile_overlayer_lowered;
	s6 =	simm.s32 $_tile_overlayer_lowered  }
0x9b: {  	s22 =	simm.s32 $0x1BFF;
	s21 =	sshll.u32 s6, $0x1;
	s3 =	sadd.s32 s4, s19  }
0x9c: {  	s7 =	simm.s32 $0x0;
	s20 =	sshll.u32 s5, $0x1;
	s5 =	sadd.s32 s21, s3  }
0x9d: {  	[timem:s7], [sflag:s22] =	dma.local [hbm:s5], s20  }
0x9e: {  	_ =	swait.ge [sflag:s22], s20  }
0x9f: {  	s4 =	ssub.s32 $0x0, s20;
	[sflag:s22] =	ssyncset.done $0x0  }
0xa0: {  	[sflag:s22] =	ssyncadd.s32 s4;
	_ =	sdelay $0x1  }
0xa1: {  	s23 =	simm.s32 $0x1B8B  }
0xa2: {  	_ =	swait.ge [sflag:s23], $0x1  }
0xa3: {  	[sflag:s23] =	ssyncset.done $0x0  }
0xa4: {  	s25 =	simm.s32 $0x1B8E;
	s24 =	sld [smem:$0x3FFE];
	[sflag:s23] =	ssyncadd.s32 $0xFFFFFFFF  }
0xa5: {  	s26 =	simm.s32 $execute0_lowered;
	[smem:$0x3FD2] =	sst s25  }
0xa6: {  	s5 =	sshll.u32 s26, $0x1;
	_ =	strace $0x80000046;
	[dreg:$0x1] =	wrdreg $0xFFFFFFFF  }
0xa7: {  	s28 =	simm.s32 $_size_execute0_lowered;
	s3 =	sadd.s32 s3, s5;
	[dreg:$0x0] =	wrdreg $0x0  }
0xa8: {  	s5 =	sshll.u32 s28, $0x1;
	[dreg:$0x2] =	wrdreg s3  }
0xa9: {  	[dreg:$0x3] =	wrdreg s5  }
0xaa: {  	[dreg:$0x4] =	wrdreg $0xC0  }
0xab: {  	_ =	task [dreg:s7], $0x5FFFF  }
0xac: {  	[dreg:$0x1] =	wrdreg $0xFFFFFFFF  }
0xad: {  	[dreg:$0x0] =	wrdreg $0x60  }
0xae: {  	[dreg:$0x2] =	wrdreg s2  }
0xaf: {  	[dreg:$0x3] =	wrdreg s24  }
0xb0: {  	[dreg:$0x4] =	wrdreg $0x9  }
0xb1: {  	_ =	task.clear_ibuf [dreg:s7], $0x5FFFF;
	_ =	strace $0x90000046  }
0xb2: {  	s29 =	simm.s32 $0x9;
	_ =	strace $0x80000048  }
0xb3: {  	_ =	swait.ge [sflag:s29], $0x1  }
0xb4: {  	[sflag:s29] =	ssyncadd.s32 $0xFFFFFFFF  }
0xb5: {  	_ =	strace $0x90000048  }
0xb6: {  	_ =	sfence  }
0xb7: {  	s30 =	sld [smem:$0x0];
	_ =	sdelay $0x2  }
0xb8: {  	s31 =	sshll.u32 s1, $0xD;
	s1 =	sshrl.u32 s1, $0x2  }
0xb9: {  	s3 =	sand.u32 $0x4000, s31;
	s1 =	sadd.s32 s1, s30  }
0xba: {  	s0 =	sor.u32 s3, s0;
	s1 =	sshll.u32 s1, $0x11  }
0xbb: {  	s0 =	sor.u32 s1, s0  }
0xbc: {  	s0 =	sadd.s32 $0x8F2B, s0  }
0xbd: {  	[sflag:s0] =	ssyncadd.remote.s32 $0x1  }
0xbe: {  	_ =	sfence.sel $0xFFFF  }
0xbf: {  	[dreg:$0x0] =	wrdreg $0xFFFFFFFF;
	(pc) =	sbr.abs _section_cstart, $3  }
0xc0: {  	[dreg:$0x1] =	wrdreg $0xFFFFFFFF  }
0xc1: {  	_ =	task.clear_ibuf [dreg:s7], $0x2FFFF;
	_ =	strace $0x9FFFFFFF  }
0xc2: {  	(tm) =	ssettm $0x7FFFFFFF  }
0xc3: {  	_ =	shalt  }
tec
execute0_lowered:
.L_overlay_start_1:
0x0: {  	(tag) =	ssettag $0x1  }
0x1: {  	s3 =	rddreg [dreg:$0x0]  }
0x2: {  	s4 =	rddreg [dreg:$0x1];
	s2 =	srdreg.scid  }
0x3: {  	s0 =	rddreg [dreg:$0x2];
	s1 =	stileid.u32;
	s10 =	simm.s32 $0x1  }
0x4: {  	s11 =	simm.s32 $0x2000;
	s12 =	simm.s32 $0x3000;
	s13 =	simm.s32 $0x4000  }
0x5: {  	s14 =	simm.s32 $0x0;
	s5 =	sand.u32 $0x1, s2;
	s2 =	simm.s32 $0x0  }
0x6: {  	s6 =	sshll.u32 s1, $0xA;
	s7 =	sshll.u32 s5, $0x9;
	[smem:$0x7FF] =	sst s2  }
0x7: {  	s5 =	ssub.s32 $0x2, s5;
	s6 =	sor.u32 s7, s6;
	_ =	strace $0x80000047  }
0x8: {  	s8 =	sshrl.u32 s5, $0x1;
	s7 =	sshrl.u32 s6, $0x3;
	s9 =	sadd.s32 s6, s4  }
0x9: {  	s8 =	ssub.s32 s5, s8;
	s3 =	sadd.s32 s3, s6;
	s7 =	sadd.s32 s7, s4  }
0xa: {  	s4 =	sadd.s32 $0x1000, s9;
	s5 =	sadd.s32 $0x5000, s9;
	s9 =	simm.s32 $0x20000  }
0xb: {  	v0 =	vimm.s32 $0x63;
	s6 =	sadd.s32 $0x9000, s7;
	s7 =	smax.u32 s8, $0x1;
	s8 =	simm.s32 $0x1000  }
.LBB2_1:
0xc: {  	[tilespmem:s2], [sflag:$0x1] =	stream.strided.gather [hbm4b:s3+s8], $0x2000, s9, s8, $0x38;
	[tilespmem:$0x4200] =	vst v63  }
0xd: {  	_ =	swait.ge [sflag:s10], $0x2000  }
0xe: {  	[sflag:s10] =	ssyncset.done $0x0  }
0xf: {  	[sflag:s10] =	ssyncadd.s32 $0xFFFFE000  }
0x10: {  	[tilespmem:s11], [sflag:$0x1] =	stream.linear.gather [hbm4b:s4+s2], $0x1000, $0x38;
	[tilespmem:$0x4200] =	vst v63  }
0x11: {  	_ =	swait.ge [sflag:s10], $0x1000  }
0x12: {  	[sflag:s10] =	ssyncset.done $0x0  }
0x13: {  	[sflag:s10] =	ssyncadd.s32 $0xFFFFF000  }
0x14: {  	[tilespmem:s12], [sflag:$0x1] =	stream.linear.gather [hbm4b:s5+s2], $0x1000, $0x38;
	[tilespmem:$0x4200] =	vst v63  }
0x15: {  	_ =	swait.ge [sflag:s10], $0x1000  }
0x16: {  	s15 =	sand.u32 $0x70, s2;
	s16 =	sand.u32 $0xC00, s2;
	[sflag:s10] =	ssyncset.done $0x0  }
0x17: {  	s15 =	sor.u32 s15, s16;
	[sflag:s10] =	ssyncadd.s32 $0xFFFFF000  }
0x18: {  	v1 =	vld [tilespmem:s15+$0x3000]  }
0x19: {  	s16 =	sor.u32 s16, s2;
	v2 =	vld [tilespmem:s15+$0x3080]  }
0x1a: {  	s17 =	sor.u32 $0x180, s16;
	v3 =	vld [tilespmem:s15+$0x3100]  }
0x1b: {  	v4 =	vld [tilespmem:s17+$0x3000]  }
0x1c: {  	v5 =	vld [tilespmem:s15+$0x3200]  }
0x1d: {  	s31 =	sor.u32 s2, s2;
	v6 =	vld [tilespmem:s15+$0x3280]  }
0x1e: {  	s16 =	sor.u32 $0x380, s31;
	v7 =	vld [tilespmem:s15+$0x3300];
	v8 =	vmax.f32 v1, v2  }
0x1f: {  	v9 =	vld [tilespmem:s16+$0x3000];
	v8 =	vmax.f32 v8, v3  }
0x20: {  	v8 =	vmax.f32 v8, v4  }
0x21: {  	v8 =	vmax.f32 v8, v5  }
0x22: {  	v8 =	vmax.f32 v8, v6  }
0x23: {  	v8 =	vmax.f32 v8, v7  }
0x24: {  	v8 =	vmax.f32 v8, v9  }
0x25: {  	vm0 =	veq.f32 v9, v8  }
0x26: {  	v10 =	vadd.f32 $-1.000000020e+30, v3;
	vm1 =	veq.f32 v7, v8;
	v11 =	vsel vm0, $0x7, v0  }
0x27: {  	v12 =	vadd.f32 $-1.000000020e+30, v7;
	vm9 =	veq.f32 v6, v8;
	v11 =	vsel vm1, $0x6, v11  }
0x28: {  	v13 =	vadd.f32 $-1.000000020e+30, v1;
	vm10 =	veq.f32 v5, v8;
	v11 =	vsel vm9, $0x5, v11  }
0x29: {  	v14 =	vadd.f32 $-1.000000020e+30, v2;
	vm2 =	veq.f32 v4, v8;
	v11 =	vsel vm10, $0x4, v11  }
0x2a: {  	v34 =	vadd.f32 $-1.000000020e+30, v6;
	vm3 =	veq.f32 v3, v8;
	v11 =	vsel vm2, $0x3, v11  }
0x2b: {  	v35 =	vadd.f32 $-1.000000020e+30, v9;
	vm0 =	veq.f32 v2, v8;
	v11 =	vsel vm3, $0x2, v11  }
0x2c: {  	v15 =	vadd.f32 $-1.000000020e+30, v4;
	vm1 =	vne.f32 v1, v8;
	v11 =	vsel vm0, $0x1, v11  }
0x2d: {  	v16 =	vadd.f32 $-1.000000020e+30, v5;
	vm11 =	vmand vm1, vm0;
	v11 =	vnsel vm1, $0x0, v11  }
0x2e: {  	v1 =	vsel vm1, v1, v13;
	v2 =	vsel vm11, v14, v2;
	vm3 =	veq.s32 v11, $0x2  }
0x2f: {  	v14 =	vmax.f32 v1, v2;
	vm2 =	veq.s32 v11, $0x3;
	v3 =	vsel vm3, v10, v3  }
0x30: {  	vm4 =	veq.s32 v11, $0x4;
	v4 =	vsel vm2, v15, v4;
	v10 =	vmax.f32 v14, v3  }
0x31: {  	vm5 =	veq.s32 v11, $0x5;
	v5 =	vsel vm4, v16, v5;
	v10 =	vmax.f32 v10, v4  }
0x32: {  	v36 =	vld [tilespmem:s15+$0x80];
	vm6 =	veq.s32 v11, $0x6;
	v6 =	vsel vm5, v34, v6;
	v37 =	vmax.f32 v10, v5  }
0x33: {  	v38 =	vld [tilespmem:s15+$0x2080];
	vm7 =	veq.s32 v11, $0x7;
	v7 =	vsel vm6, v12, v7;
	v8 =	vmax.f32 v37, v6  }
0x34: {  	v39 =	vld [tilespmem:s15+$0x2000];
	v9 =	vsel vm7, v35, v9;
	v8 =	vmax.f32 v8, v7  }
0x35: {  	v40 =	vld [tilespmem:s15+$0x0];
	v8 =	vmax.f32 v8, v9  }
0x36: {  	v41 =	vld [tilespmem:s17+$0x0];
	vm8 =	veq.f32 v9, v8  }
0x37: {  	v42 =	vld [tilespmem:s15+$0x100];
	vm9 =	veq.f32 v7, v8;
	v43 =	vsel vm8, $0x7, v0  }
0x38: {  	v44 =	vld [tilespmem:s15+$0x2100];
	vm12 =	veq.f32 v6, v8;
	v45 =	vsel vm9, $0x6, v43  }
0x39: {  	v46 =	vld [tilespmem:s17+$0x2000];
	vm13 =	veq.f32 v5, v8;
	v47 =	vsel vm12, $0x5, v45  }
0x3a: {  	v48 =	vld [tilespmem:s15+$0x2200];
	vm14 =	veq.f32 v4, v8;
	v5 =	vsel vm13, $0x4, v47  }
0x3b: {  	v49 =	vld [tilespmem:s15+$0x2280];
	vm15 =	veq.f32 v3, v8;
	v3 =	vsel vm14, $0x3, v5  }
0x3c: {  	v50 =	vld [tilespmem:s16+$0x0];
	vm8 =	veq.f32 v2, v8;
	v2 =	vsel vm15, $0x2, v3  }
0x3d: {  	v51 =	vld [tilespmem:s15+$0x200];
	vm9 =	vne.f32 v1, v8;
	v1 =	vsel vm8, $0x1, v2  }
0x3e: {  	v52 =	vld [tilespmem:s15+$0x2300];
	v10 =	vnsel vm8, $0x0, v38;
	v2 =	vnsel vm0, $0x0, v38;
	v1 =	vnsel vm9, $0x0, v1  }
0x3f: {  	v53 =	vld [tilespmem:s15+$0x280];
	v10 =	vsel vm9, v10, v39;
	v2 =	vsel vm1, v2, v39;
	vm10 =	veq.s32 v1, $0x2  }
0x40: {  	v3 =	vld [tilespmem:s16+$0x2000];
	v2 =	vsel vm3, v44, v2;
	vm11 =	veq.s32 v1, $0x3;
	v10 =	vsel vm10, v44, v10  }
0x41: {  	v54 =	vld [tilespmem:s15+$0x300];
	vm12 =	veq.s32 v1, $0x4;
	v2 =	vsel vm2, v46, v2;
	v7 =	vsel vm11, v46, v10  }
0x42: {  	v55 =	vld [tilespmem:s15+$0x1080];
	vm13 =	veq.s32 v1, $0x5;
	v2 =	vsel vm4, v48, v2;
	v6 =	vsel vm12, v48, v7  }
0x43: {  	v56 =	vld [tilespmem:s15+$0x1000];
	vm14 =	veq.s32 v1, $0x6;
	v2 =	vsel vm5, v49, v2;
	v4 =	vsel vm13, v49, v6  }
0x44: {  	v57 =	vld [tilespmem:s15+$0x1100];
	vm15 =	veq.s32 v1, $0x7;
	v2 =	vsel vm6, v52, v2;
	v4 =	vsel vm14, v52, v4  }
0x45: {  	v14 =	vnsel vm0, $0x0, v36;
	v1 =	vld [tilespmem:s15+$0x1180];
	v2 =	vsel vm7, v3, v2;
	v3 =	vsel vm15, v3, v4  }
0x46: {  	v58 =	vld [tilespmem:s15+$0x1200];
	v12 =	vsel vm1, v14, v40;
	v59 =	vadd.f32 v3, v2  }
0x47: {  	v17 =	vld [tilespmem:s15+$0x1280];
	v9 =	vsel vm3, v42, v12;
	v10 =	vnsel vm8, $0x0, v55  }
0x48: {  	v60 =	vld [tilespmem:s15+$0x1300];
	v9 =	vsel vm2, v41, v9;
	v7 =	vsel vm9, v10, v56;
	(erf) = vrcp.f32 v59  }
0x49: {  	v61 =	vld [tilespmem:s15+$0x1380];
	v62 =	vsel vm4, v51, v9;
	v6 =	vsel vm10, v57, v7  }
0x4a: {  	v63 =	vsel vm5, v53, v62;
	v1 =	vsel vm11, v1, v6  }
0x4b: {  	v1 =	vsel vm12, v58, v1;
	v4 =	vsel vm6, v54, v63  }
0x4c: {  	v1 =	vsel vm13, v17, v1;
	v4 =	vsel vm7, v50, v4  }
0x4d: {  	v1 =	vsel vm14, v60, v1;
	v2 =	vmul.f32 v4, v2  }
0x4e: {  	v1 =	vsel vm15, v61, v1  }
0x4f: {  	v1 =	vmul.f32 v3, v1  }
0x50: {  	s18 =	simm.s32 $0x4000  }
0x51: {  	s17 =	simm.s32 $0x4000;
	s16 =	simm.s32 $0x0;
	s15 =	simm.s32 $0x10;
	v1 =	vadd.f32 v1, v2;
	v2 =	vpop (erf)  }
.LBB2_2:
0x52: {  	p0 =	sne.s32 s15, $0x1F0  }
0x53: {  	v1 =	vmul.f32 v2, v1;
	s16 =	sadd.s32 $0x80, s16;
	s18 =	sadd.s32 $0x10, s18;
	s20 =	smov.u32 s15  }
0x54: {  	s15 =	sadd.s32 $0x10, s15;
	s19 =	sand.u32 $0x70, s20;
	s21 =	sand.u32 $0xC00, s16  }
0x55: {  	s19 =	sor.u32 s19, s21;
	s21 =	sor.u32 s21, s20;
	[tilespmem:s17+$0x0] =	vst v1;
	s17 =	smov.u32 s18  }
0x56: {  	v1 =	vld [tilespmem:s19+$0x3100];
	s21 =	sor.u32 $0x180, s21  }
0x57: {  	v2 =	vld [tilespmem:s19+$0x3000]  }
0x58: {  	v3 =	vld [tilespmem:s19+$0x3080]  }
0x59: {  	v4 =	vld [tilespmem:s21+$0x3000]  }
0x5a: {  	v5 =	vld [tilespmem:s19+$0x3200]  }
0x5b: {  	s20 =	sor.u32 s16, s20;
	v6 =	vld [tilespmem:s19+$0x3280]  }
0x5c: {  	s20 =	sor.u32 $0x380, s20;
	v7 =	vld [tilespmem:s19+$0x3300]  }
0x5d: {  	v8 =	vld [tilespmem:s20+$0x3000];
	v9 =	vmax.f32 v2, v3  }
0x5e: {  	v9 =	vmax.f32 v9, v1  }
0x5f: {  	v9 =	vmax.f32 v9, v4  }
0x60: {  	v9 =	vmax.f32 v9, v5  }
0x61: {  	v9 =	vmax.f32 v9, v6  }
0x62: {  	v10 =	vadd.f32 $-1.000000020e+30, v1;
	v11 =	vadd.f32 $-1.000000020e+30, v7;
	v9 =	vmax.f32 v9, v7  }
0x63: {  	v12 =	vadd.f32 $-1.000000020e+30, v2;
	v13 =	vadd.f32 $-1.000000020e+30, v3;
	v9 =	vmax.f32 v9, v8;
	v14 =	vld [tilespmem:s19+$0x80]  }
0x64: {  	vm0 =	veq.f32 v8, v9;
	vm1 =	veq.f32 v7, v9;
	vm2 =	veq.f32 v3, v9;
	v15 =	vld [tilespmem:s19+$0x2080]  }
0x65: {  	vm3 =	veq.f32 v1, v9;
	v16 =	vsel vm0, $0x7, v0;
	vm0 =	veq.f32 v6, v9;
	v17 =	vld [tilespmem:s19+$0x2000]  }
0x66: {  	vm5 =	veq.f32 v4, v9;
	v16 =	vsel vm1, $0x6, v16;
	vm1 =	veq.f32 v5, v9  }
0x67: {  	vm4 =	vne.f32 v2, v9;
	v9 =	vadd.f32 $-1.000000020e+30, v6;
	v16 =	vsel vm0, $0x5, v16;
	v18 =	vld [tilespmem:s19+$0x0]  }
0x68: {  	v2 =	vsel vm4, v2, v12;
	vm0 =	vmand vm4, vm2;
	v16 =	vsel vm1, $0x4, v16  }
0x69: {  	v3 =	vsel vm0, v13, v3;
	v12 =	vsel vm5, $0x3, v16;
	v13 =	vnsel vm2, $0x0, v15  }
0x6a: {  	v16 =	vadd.f32 $-1.000000020e+30, v8;
	v19 =	vmax.f32 v2, v3;
	v12 =	vsel vm3, $0x2, v12;
	v20 =	vld [tilespmem:s21+$0x0]  }
0x6b: {  	v21 =	vadd.f32 $-1.000000020e+30, v5;
	v14 =	vnsel vm2, $0x0, v14;
	v12 =	vsel vm2, $0x1, v12;
	v22 =	vld [tilespmem:s19+$0x100]  }
0x6c: {  	v23 =	vadd.f32 $-1.000000020e+30, v4;
	v12 =	vnsel vm4, $0x0, v12;
	v14 =	vsel vm4, v14, v18;
	v18 =	vld [tilespmem:s19+$0x2100]  }
0x6d: {  	vm6 =	veq.s32 v12, $0x2;
	vm5 =	veq.s32 v12, $0x3;
	vm0 =	veq.s32 v12, $0x6;
	v24 =	vld [tilespmem:s21+$0x2000]  }
0x6e: {  	v1 =	vsel vm6, v10, v1;
	v4 =	vsel vm5, v23, v4;
	v7 =	vsel vm0, v11, v7;
	v10 =	vld [tilespmem:s19+$0x2200]  }
0x6f: {  	vm3 =	veq.s32 v12, $0x4;
	vm2 =	veq.s32 v12, $0x5;
	v11 =	vmax.f32 v19, v1;
	v19 =	vld [tilespmem:s19+$0x2280]  }
0x70: {  	v5 =	vsel vm3, v21, v5;
	v6 =	vsel vm2, v9, v6;
	v9 =	vmax.f32 v11, v4  }
0x71: {  	vm1 =	veq.s32 v12, $0x7;
	v11 =	vsel vm4, v13, v17;
	v9 =	vmax.f32 v9, v5  }
0x72: {  	v8 =	vsel vm1, v16, v8;
	v11 =	vsel vm6, v18, v11;
	v9 =	vmax.f32 v9, v6;
	v12 =	vld [tilespmem:s20+$0x0]  }
0x73: {  	v13 =	vsel vm6, v22, v14;
	v11 =	vsel vm5, v24, v11;
	v9 =	vmax.f32 v9, v7;
	v14 =	vld [tilespmem:s20+$0x2000]  }
0x74: {  	v13 =	vsel vm5, v20, v13;
	v11 =	vsel vm3, v10, v11;
	v9 =	vmax.f32 v9, v8;
	v16 =	vld [tilespmem:s19+$0x200]  }
0x75: {  	vm5 =	veq.f32 v8, v9;
	vm6 =	veq.f32 v7, v9;
	vm4 =	veq.f32 v3, v9;
	v3 =	vld [tilespmem:s19+$0x2300]  }
0x76: {  	vm7 =	veq.f32 v5, v9;
	v7 =	vsel vm5, $0x7, v0;
	vm5 =	veq.f32 v6, v9;
	v5 =	vld [tilespmem:s19+$0x280]  }
0x77: {  	v6 =	vsel vm6, $0x6, v7;
	vm6 =	veq.f32 v1, v9;
	v1 =	vsel vm2, v19, v11;
	v7 =	vld [tilespmem:s19+$0x300]  }
0x78: {  	v6 =	vsel vm5, $0x5, v6;
	vm5 =	vne.f32 v2, v9;
	v2 =	vnsel vm4, $0x0, v15;
	v8 =	vld [tilespmem:s19+$0x1080]  }
0x79: {  	v6 =	vsel vm7, $0x4, v6;
	vm7 =	veq.f32 v4, v9;
	v4 =	vld [tilespmem:s19+$0x1000];
	v2 =	vsel vm5, v2, v17  }
0x7a: {  	v11 =	vsel vm3, v16, v13;
	v6 =	vsel vm7, $0x3, v6;
	v9 =	vld [tilespmem:s19+$0x1100];
	v1 =	vsel vm0, v3, v1  }
0x7b: {  	v6 =	vsel vm6, $0x2, v6;
	v13 =	vld [tilespmem:s19+$0x1180];
	v5 =	vsel vm2, v5, v11;
	v1 =	vsel vm1, v14, v1  }
0x7c: {  	v6 =	vsel vm4, $0x1, v6;
	v11 =	vld [tilespmem:s19+$0x1200];
	v5 =	vsel vm0, v7, v5  }
0x7d: {  	v6 =	vnsel vm5, $0x0, v6;
	v7 =	vnsel vm4, $0x0, v8;
	v8 =	vld [tilespmem:s19+$0x1280];
	v5 =	vsel vm1, v12, v5  }
0x7e: {  	v4 =	vsel vm5, v7, v4;
	vm0 =	veq.s32 v6, $0x2;
	v7 =	vld [tilespmem:s19+$0x1300]  }
0x7f: {  	v2 =	vsel vm0, v18, v2;
	v4 =	vsel vm0, v9, v4;
	vm0 =	veq.s32 v6, $0x3;
	v9 =	vld [tilespmem:s19+$0x1380]  }
0x80: {  	v2 =	vsel vm0, v24, v2;
	v4 =	vsel vm0, v13, v4;
	vm0 =	veq.s32 v6, $0x4  }
0x81: {  	v2 =	vsel vm0, v10, v2;
	v4 =	vsel vm0, v11, v4;
	vm0 =	veq.s32 v6, $0x5  }
0x82: {  	v2 =	vsel vm0, v19, v2;
	v4 =	vsel vm0, v8, v4;
	vm0 =	veq.s32 v6, $0x6  }
0x83: {  	v2 =	vsel vm0, v3, v2;
	v3 =	vsel vm0, v7, v4;
	vm0 =	veq.s32 v6, $0x7  }
0x84: {  	v2 =	vsel vm0, v14, v2;
	v3 =	vsel vm0, v9, v3  }
0x85: {  	v3 =	vmul.f32 v2, v3;
	v2 =	vadd.f32 v2, v1;
	_ =	sdelay $0x1  }
0x86: {  	(erf) = vrcp.f32 v2;
	_ =	sdelay $0x4  }
.Ltmp0:
0x87: {  	(pc) =	sbr.rel @p0 .LBB2_2-.Ltmp0, $3  }
0x88: {  	v1 =	vmul.f32 v5, v1;
	_ =	sdelay $0x1  }
0x89: {  	v1 =	vadd.f32 v3, v1  }
0x8a: {  	v2 =	vpop (erf)  }
0x8b: {  	v1 =	vmul.f32 v2, v1;
	s14 =	sadd.s32 $0x1, s14  }
0x8c: {  	p0 =	sne.s32 s14, s7  }
.Ltmp1:
0x8d: {  	[tilespmem:s17+$0x0] =	vst v1;
	(pc) =	sbr.rel @p0 .LBB2_1-.Ltmp1, $4  }
0x8e: {  	[hbm4b:s6+s2] =	stream.linear.scatter [tilespmem:s13], [sflag:$0x1], $0x200, $0x38;
	[tilespmem:$0x4200] =	vst v63  }
0x8f: {  	_ =	swait.ge [sflag:s10], $0x200  }
0x90: {  	[sflag:s10] =	ssyncset.done $0x0  }
0x91: {  	[sflag:s10] =	ssyncadd.s32 $0xFFFFFE00  }
0x92: {  	_ =	sfence.sel $0x180000  }
0x93: {  	[bflag:$0x0] =	sbarrier.arrive $0xFFFF  }
0x94: {  	p0 =	sne.s32 s1, $0x0;
	_ =	strace $0x90000047  }
0x95: {  	s0 =	sadd.s32 @!p0 $0x100000, s0;
	[bflag:$0x2] =	sbarrier.arrive $0xFFFF  }
0x96: {  	[sflag:s0] =	ssyncadd.tile.s32 @!p0 $0x1;
	_ =	shalt  }
.Lfunc_end2:
_tile_overlayer_lowered:
.L_overlay_start_2:
0x97: {  	(tag) =	ssettag $0x2  }
0x98: {  	s0 =	rddreg [dreg:$0x0];
	s2 =	stileid.u32  }
0x99: {  	s1 =	rddreg [dreg:$0x1];
	p0 =	sne.s32 s2, $0x0  }
0x9a: {  	s3 =	rddreg [dreg:$0x2];
	[bflag:$0x3] =	sbarrier.arrive $0xFFFF;
	s2 =	simm.s32 @!p0 $0x1C01  }
0x9b: {  	[timem:s3], [sflag:s2] =	dma.local @!p0 [hbm:s0], s1  }
0x9c: {  	s0 =	simm.s32 @!p0 $0x1  }
0x9d: {  	_ =	swait.ge @!p0 [sflag:s0], s1  }
0x9e: {  	s1 =	ssub.s32 @!p0 $0x0, s1;
	[sflag:s0] =	ssyncset.done @!p0 $0x0  }
0x9f: {  	[sflag:s0] =	ssyncadd.s32 @!p0 s1  }
0xa0: {  	[bflag:$0x3] =	sbarrier.arrive $0xFFFF  }
0xa1: {  	_ =	shalt  }

</sc_bundles>
